<compile_context>
chip_gen: v7x
topology: tpu7x:2x2x1
jax: 0.10.2.dev20260603
libtpu: 0.0.44.dev20260713+nightly
codegen_flags: <defaults>
</compile_context>

<pallas_src>
import functools

import jax
import jax.numpy as jnp
from jax import lax
from jax.experimental import pallas as pl
from jax.experimental.pallas import tpu as pltpu
from jax.experimental.pallas import tpu_sc as plsc

N = 4096
E = 131072
H = 2
C = 128
HC = H * C
ALPHA = 0.2
NEG = -9e15

TRASH = N * N
PLANE = N * N + N
SENTW = -78382253

_FCH = 32768
_FPT = (N * N) // 32
_BATCH = 128
_MARGIN = 2048
_CPS = E // 2 + _MARGIN
_CPT = _CPS // 16
_NDMA = _CPT // _BATCH


def _f16bits(g):
    bits = plsc.bitcast(g, jnp.int32)
    sgn = lax.shift_right_logical(bits, 16) & 0x8000
    e8 = lax.shift_right_logical(bits, 23) & 0xFF
    man = bits & 0x7FFFFF
    body = lax.shift_left(e8 - 112, 10) | lax.shift_right_logical(man, 13)
    body = body + (lax.shift_right_logical(man, 12) & 1)
    return jnp.where(e8 > 112, sgn | body, 0)


def _sc_body(edges_hbm, skeys_hbm, s12t_hbm, d0_hbm,
             fill_v, s1h0, s1h1, s2h0, s2h1, row_v, col_v, skey_v,
             idx2d, lb0, sem):
    c = lax.axis_index("c")
    s = lax.axis_index("s")

    def fb(i, carry):
        fill_v[pl.ds(i * 16, 16)] = jnp.full((16,), SENTW, jnp.int32)
        return carry
    lax.fori_loop(0, _FCH // 16, fb, 0)

    base = c * (N * N // 2) + s * _FPT

    def fill_fire(i, carry):
        pltpu.async_copy(fill_v, d0_hbm.at[pl.ds(base + i * _FCH, _FCH)], sem)
        return carry

    lax.fori_loop(0, _FPT // _FCH, fill_fire, 0)

    def fill_drain(i, carry):
        pltpu.make_async_copy(fill_v, d0_hbm.at[pl.ds(base + i * _FCH, _FCH)], sem).wait()
        return carry

    lax.fori_loop(0, _FPT // _FCH, fill_drain, 0)
    plsc.subcore_barrier()

    pltpu.sync_copy(s12t_hbm.at[0], s1h0)
    pltpu.sync_copy(s12t_hbm.at[1], s1h1)
    pltpu.sync_copy(s12t_hbm.at[2], s2h0)
    pltpu.sync_copy(s12t_hbm.at[3], s2h1)

    ebase = c * (E - _CPS) + s * _CPT
    pltpu.sync_copy(edges_hbm.at[0, pl.ds(ebase, _CPT)], row_v)
    pltpu.sync_copy(edges_hbm.at[1, pl.ds(ebase, _CPT)], col_v)
    pltpu.sync_copy(skeys_hbm.at[pl.ds(ebase, _CPT)], skey_v.at[pl.ds(0, _CPT)])

    @pl.when((c == 0) | (s < 15))
    def _stage_tail():
        pltpu.sync_copy(skeys_hbm.at[pl.ds(ebase + _CPT, 16)],
                        skey_v.at[pl.ds(_CPT, 16)])

    @pl.when((c == 1) & (s == 15))
    def _sentinel_tail():
        skey_v[pl.ds(_CPT, 16)] = jnp.full((16,), 0x7FFFFFFF, jnp.int32)

    lo = c * (N // 2)
    hi = lo + (N // 2)

    def slot_step(k, carry):
        r = row_v[pl.ds(k * 16, 16)]
        cc = col_v[pl.ds(k * 16, 16)]
        g0 = plsc.load_gather(s1h0, [r]) + plsc.load_gather(s2h0, [cc])
        g0 = jnp.where(g0 > 0, g0, ALPHA * g0)
        g1 = plsc.load_gather(s1h1, [r]) + plsc.load_gather(s2h1, [cc])
        g1 = jnp.where(g1 > 0, g1, ALPHA * g1)
        lb0[pl.ds(k * 16, 16)] = _f16bits(g0) | lax.shift_left(_f16bits(g1), 16)
        sk = skey_v[pl.ds(k * 16, 16)]
        sknext = skey_v[pl.ds(k * 16 + 1, 16)]
        srow = lax.shift_right_logical(sk, 12)
        keep = (srow >= lo) & (srow < hi) & (sk != sknext)
        sk = jnp.where(keep, sk, TRASH + (sk & (N - 1)))
        idx2d[pl.ds(k * 16, 16)] = sk
        return carry

    lax.fori_loop(0, _CPT // 16, slot_step, 0)

    pltpu.async_copy(lb0, d0_hbm.at[idx2d], sem)
    pltpu.make_async_copy(lb0, d0_hbm.at[idx2d], sem).wait()


@functools.cache
def _make_sc():
    return functools.partial(
        pl.kernel,
        mesh=plsc.VectorSubcoreMesh(core_axis_name="c", subcore_axis_name="s"),
        compiler_params=pltpu.CompilerParams(needs_layout_passes=False),
        out_type=jax.ShapeDtypeStruct((PLANE,), jnp.int32),
        scratch_types=[
            pltpu.VMEM((_FCH,), jnp.int32),
            pltpu.VMEM((N,), jnp.float32),
            pltpu.VMEM((N,), jnp.float32),
            pltpu.VMEM((N,), jnp.float32),
            pltpu.VMEM((N,), jnp.float32),
            pltpu.VMEM((_CPT,), jnp.int32),
            pltpu.VMEM((_CPT,), jnp.int32),
            pltpu.VMEM((_CPT + 16,), jnp.int32),
            pltpu.VMEM((_CPT,), jnp.int32),
            pltpu.VMEM((_CPT,), jnp.int32),
            pltpu.SemaphoreType.DMA,
        ],
    )(_sc_body)


_PB = 512


def _proj_body(x_ref, w_ref, b_ref, at_ref, feats_ref, s12t_ref):
    f = lax.dot_general(x_ref[...], w_ref[...], (((1,), (1,)), ((), ())),
                        preferred_element_type=jnp.float32)
    f = f + b_ref[...]
    feats_ref[...] = f
    s12t_ref[...] = lax.dot_general(at_ref[...], f, (((1,), (1,)), ((), ())),
                                    preferred_element_type=jnp.float32)


_proj = pl.pallas_call(
    _proj_body,
    grid=(N // _PB,),
    in_specs=[
        pl.BlockSpec((_PB, HC), lambda i: (i, 0)),
        pl.BlockSpec((HC, HC), lambda i: (0, 0)),
        pl.BlockSpec((1, HC), lambda i: (0, 0)),
        pl.BlockSpec((8, HC), lambda i: (0, 0)),
    ],
    out_specs=[
        pl.BlockSpec((_PB, HC), lambda i: (i, 0)),
        pl.BlockSpec((8, _PB), lambda i: (0, i)),
    ],
    out_shape=[
        jax.ShapeDtypeStruct((N, HC), jnp.float32),
        jax.ShapeDtypeStruct((8, N), jnp.float32),
    ],
)


_AB = 256


def _att_body(d_ref, feats_ref, out_ref):
    dw = d_ref[...]
    for h in (0, 1):
        w = lax.shift_right_logical(dw, 16 * h) & 0xFFFF
        e = lax.shift_right_logical(w, 10) & 0x1F
        fb = (lax.shift_left(lax.shift_right_logical(w, 15) & 1, 31)
              | lax.shift_left(e + 112, 23)
              | lax.shift_left(w & 0x3FF, 13))
        lg = jnp.where(e == 0, 0.0,
                       lax.bitcast_convert_type(fb, jnp.float32))
        m = jnp.max(lg, axis=1, keepdims=True)
        p = jnp.exp(lg - m)
        z = jnp.sum(p, axis=1, keepdims=True)
        fh = feats_ref[:, h * C:(h + 1) * C]
        oh = lax.dot_general(p, fh, (((1,), (0,)), ((), ())),
                             preferred_element_type=jnp.float32)
        out_ref[:, h * C:(h + 1) * C] = oh / z


_attend = pl.pallas_call(
    _att_body,
    grid=(N // _AB,),
    in_specs=[
        pl.BlockSpec((_AB, N), lambda i: (i, 0)),
        pl.BlockSpec((N, HC), lambda i: (0, 0)),
    ],
    out_specs=pl.BlockSpec((_AB, HC), lambda i: (i, 0)),
    out_shape=jax.ShapeDtypeStruct((N, HC), jnp.float32),
)


def kernel(x, edges, W, b, a):
    a1 = a[:, :C]
    a2 = a[:, C:]
    at = jnp.zeros((8, HC), jnp.float32)
    at = at.at[0, :C].set(a1[0]).at[1, C:].set(a1[1])
    at = at.at[2, :C].set(a2[0]).at[3, C:].set(a2[1])

    feats, s12t = _proj(x, W, b.reshape(1, HC), at)
    skeys = jnp.sort(edges[0] * N + edges[1])
    dpk = _make_sc()(edges, skeys, s12t)
    out = _attend(dpk.reshape(N + 1, N), feats)
    return out.reshape(1, N, HC)

# --- scband reference (transcript-rebuilt; emitter-appended) ---
"""Pipeline reference for scband-gatlayer-46256797778528 (READ-ONLY COPY).

The authoritative reference and input builder live on the scoring server;
editing this copy changes nothing except your own understanding.
"""

import jax, jax.numpy as jnp
import numpy as np

N = 4096
E = 131072
IN_FEATURES = 256
OUT_FEATURES = 256
NUM_HEADS = 2
C = OUT_FEATURES // NUM_HEADS  # per-head channels (concat_heads=True)
ALPHA = 0.2


def setup_inputs(seed: int = 0) -> dict:
    key = jax.random.key(seed)
    k1, k2, k3, k4 = jax.random.split(key, 4)
    x = jax.random.normal(k1, (N, IN_FEATURES), dtype=jnp.float32)
    edges = jax.random.randint(k2, (2, E), 0, N, dtype=jnp.int32)
    # projection: Linear(IN, H*C), xavier_uniform gain=1.414
    limit_w = 1.414 * np.sqrt(6.0 / (IN_FEATURES + NUM_HEADS * C))
    W = jax.random.uniform(k3, (NUM_HEADS * C, IN_FEATURES), dtype=jnp.float32,
                           minval=-limit_w, maxval=limit_w)
    b = jnp.zeros((NUM_HEADS * C,), dtype=jnp.float32)
    limit_a = 1.414 * np.sqrt(6.0 / (NUM_HEADS + 2 * C))
    a = jax.random.uniform(k4, (NUM_HEADS, 2 * C), dtype=jnp.float32,
                           minval=-limit_a, maxval=limit_a)
    return {"x": x, "edges": edges, "W": W, "b": b, "a": a}


def reference(x, edges, W, b, a):
    num_nodes = x.shape[0]
    # projection
    node_feats = x @ W.T + b                       # [N, H*C]
    node_feats = node_feats.reshape(num_nodes, NUM_HEADS, C)
    e = edges.T                                    # [E, 2]
    row = e[:, 0]
    col = e[:, 1]
    # gather endpoint features per edge
    f1 = node_feats[row]                           # [E, H, C]
    f2 = node_feats[col]                           # [E, H, C]
    a_input = jnp.concatenate([f1, f2], axis=-1)   # [E, H, 2C]
    attn_logits = jnp.einsum('bhc,hc->bh', a_input, a)  # [E, H]
    attn_logits = jnp.where(attn_logits > 0, attn_logits, ALPHA * attn_logits)
    # Faithful to torch boolean-mask assignment semantics: masked (adjacency)
    # positions are visited in row-major order and filled with attn_logits
    # sequentially -> k-th lexicographically-sorted edge gets attn_logits[k].
    perm = jnp.argsort(row * num_nodes + col)
    sr = row[perm]
    sc = col[perm]
    attn_matrix = jnp.full((num_nodes, num_nodes, NUM_HEADS), -9e15, dtype=jnp.float32)
    attn_matrix = attn_matrix.at[sr, sc].set(attn_logits)
    # softmax over source-node axis (dim=2 of [B,N,N,H] -> axis=1 here)
    attn_probs = jax.nn.softmax(attn_matrix, axis=1)
    out = jnp.einsum('ijh,jhc->ihc', attn_probs, node_feats)  # [N, H, C]
    out = out.reshape(1, num_nodes, NUM_HEADS * C)            # concat heads
    return out

if __name__ == "__main__":
    import jax
    _d = setup_inputs()
    print(jax.jit(kernel)(*tuple(_d.values())))

</pallas_src>

<mosaic_0001>
#map = affine_map<(d0, d1) -> (0, 0)>
#map1 = affine_map<(d0, d1) -> (0)>
module attributes {stable_mosaic.version = 14 : i64} {
  func.func @_sc_body(%arg0: i32, %arg1: i32, %arg2: memref<2x131072xi32, #tpu.memory_space<hbm>>, %arg3: memref<131072xi32, #tpu.memory_space<hbm>>, %arg4: memref<8x4096xf32, #tpu.memory_space<hbm>>, %arg5: memref<16781312xi32, #tpu.memory_space<hbm>>, %arg6: memref<32768xi32, #tpu.memory_space<vmem>>, %arg7: memref<4096xf32, #tpu.memory_space<vmem>>, %arg8: memref<4096xf32, #tpu.memory_space<vmem>>, %arg9: memref<4096xf32, #tpu.memory_space<vmem>>, %arg10: memref<4096xf32, #tpu.memory_space<vmem>>, %arg11: memref<4224xi32, #tpu.memory_space<vmem>>, %arg12: memref<4224xi32, #tpu.memory_space<vmem>>, %arg13: memref<4240xi32, #tpu.memory_space<vmem>>, %arg14: memref<4224xi32, #tpu.memory_space<vmem>>, %arg15: memref<4224xi32, #tpu.memory_space<vmem>>, %arg16: memref<!tpu.dma_semaphore, #tpu.memory_space<semaphore_mem>>) attributes {dimension_semantics = [#tpu.dimension_semantics<core_parallel>, #tpu.dimension_semantics<subcore_parallel>], iteration_bounds = array<i64: 2, 16>, scalar_prefetch = 0 : i64, scratch_operands = 11 : i64, tpu.core_type = #tpu.core_type<sc_vector_subcore>, window_params = [{transform_indices = #map}, {transform_indices = #map1}, {transform_indices = #map}, {transform_indices = #map1}]} {
    %scan3A = arith.constant 0 : i32
    %scan3A_0 = arith.constant 0 : i32
    %scan3A_1 = arith.constant 2048 : i32
    %scan3A_2 = arith.addi %scan3A_0, %scan3A_1 : i32
    %scan3A_3 = arith.constant 1 : i32
    scf.for %scan3A_52 = %scan3A_0 to %scan3A_2 step %scan3A_3  : i32 {
      %broadcast_in_dim3A = arith.constant -78382253 : i32
      %broadcast_in_dim3A_53 = vector.broadcast %broadcast_in_dim3A : i32 to vector<16xi32>
      %mul3A_54 = arith.constant 16 : i32
      %mul3A_55 = arith.muli %scan3A_52, %mul3A_54 : i32
      %swap3A = arith.index_cast %mul3A_55 : i32 to index
      %swap3A_56 = tpu.vector_load %arg6[%swap3A] {strides = array<i32>} : memref<32768xi32, #tpu.memory_space<vmem>>, vector<16xi32>,
      tpu.vector_store %arg6[%swap3A], %broadcast_in_dim3A_53 {strides = array<i32>} : memref<32768xi32, #tpu.memory_space<vmem>>, vector<16xi32>,
    }
    %scan3A_4 = arith.constant 2048 : i32
    %mul3A = arith.constant 8388608 : i32
    %mul3A_5 = arith.muli %arg0, %mul3A : i32
    %mul3A_6 = arith.constant 524288 : i32
    %mul3A_7 = arith.muli %arg1, %mul3A_6 : i32
    %add3A = arith.addi %mul3A_5, %mul3A_7 : i32
    %scan3A_8 = arith.constant 0 : i32
    %scan3A_9 = arith.constant 0 : i32
    %scan3A_10 = arith.constant 16 : i32
    %scan3A_11 = arith.addi %scan3A_9, %scan3A_10 : i32
    %scan3A_12 = arith.constant 1 : i32
    scf.for %scan3A_52 = %scan3A_9 to %scan3A_11 step %scan3A_12  : i32 {
      %mul3A_53 = arith.constant 32768 : i32
      %mul3A_54 = arith.muli %scan3A_52, %mul3A_53 : i32
      %add3A_55 = arith.addi %add3A, %mul3A_54 : i32
      %dma_start3A_56 = tpu.memref_slice %arg5[%add3A_55] : memref<16781312xi32, #tpu.memory_space<hbm>> -> memref<32768xi32, #tpu.memory_space<hbm>>
      %dma_start3A_57 = tpu.memref_slice %arg5[%add3A_55] : memref<16781312xi32, #tpu.memory_space<hbm>> -> memref<32768xi32, #tpu.memory_space<hbm>>
      tpu.enqueue_dma source(%arg6 : memref<32768xi32, #tpu.memory_space<vmem>>) target(%dma_start3A_57 : memref<32768xi32, #tpu.memory_space<hbm>>) target_semaphore(%arg16 : memref<!tpu.dma_semaphore, #tpu.memory_space<semaphore_mem>>)
    }
    %scan3A_13 = arith.constant 16 : i32
    %scan3A_14 = arith.constant 0 : i32
    %scan3A_15 = arith.constant 0 : i32
    %scan3A_16 = arith.constant 16 : i32
    %scan3A_17 = arith.addi %scan3A_15, %scan3A_16 : i32
    %scan3A_18 = arith.constant 1 : i32
    scf.for %scan3A_52 = %scan3A_15 to %scan3A_17 step %scan3A_18  : i32 {
      %mul3A_53 = arith.constant 32768 : i32
      %mul3A_54 = arith.muli %scan3A_52, %mul3A_53 : i32
      %add3A_55 = arith.addi %add3A, %mul3A_54 : i32
      %dma_wait3A_56 = tpu.memref_slice %arg5[%add3A_55] : memref<16781312xi32, #tpu.memory_space<hbm>> -> memref<32768xi32, #tpu.memory_space<hbm>>
      %dma_wait3A_57 = tpu.memref_slice %arg5[%add3A_55] : memref<16781312xi32, #tpu.memory_space<hbm>> -> memref<32768xi32, #tpu.memory_space<hbm>>
      tpu.wait_dma2 semaphore(%arg16 : memref<!tpu.dma_semaphore, #tpu.memory_space<semaphore_mem>>) src(%arg6 : memref<32768xi32, #tpu.memory_space<vmem>>) dst(%dma_wait3A_57 : memref<32768xi32, #tpu.memory_space<hbm>>)
    }
    %scan3A_19 = arith.constant 16 : i32
    %barrier3A = arith.constant 0 : index
    tpu.barrier barrier_id(%barrier3A)
    %run_scoped3A = arith.constant 0 : i32
    "tpu.region"() ({
      %run_scoped3A_52 = tpu.sem_alloc : memref<!tpu.dma_semaphore, #tpu.memory_space<semaphore_mem>>
      %dma_start3A_53 = arith.constant 0 : i32
      %dma_start3A_54 = tpu.memref_slice %arg4[%run_scoped3A, %dma_start3A_53] : memref<8x4096xf32, #tpu.memory_space<hbm>> -> memref<1x4096xf32, #tpu.memory_space<hbm>>
      %dma_start3A_55 = tpu.memref_squeeze %dma_start3A_54 : memref<1x4096xf32, #tpu.memory_space<hbm>> -> memref<4096xf32, #tpu.memory_space<hbm>>
      %dma_start3A_56 = arith.constant 0 : i32
      %dma_start3A_57 = tpu.memref_slice %arg4[%run_scoped3A, %dma_start3A_56] : memref<8x4096xf32, #tpu.memory_space<hbm>> -> memref<1x4096xf32, #tpu.memory_space<hbm>>
      %dma_start3A_58 = tpu.memref_squeeze %dma_start3A_57 : memref<1x4096xf32, #tpu.memory_space<hbm>> -> memref<4096xf32, #tpu.memory_space<hbm>>
      tpu.enqueue_dma source(%dma_start3A_58 : memref<4096xf32, #tpu.memory_space<hbm>>) target(%arg7 : memref<4096xf32, #tpu.memory_space<vmem>>) target_semaphore(%run_scoped3A_52 : memref<!tpu.dma_semaphore, #tpu.memory_space<semaphore_mem>>)
      %dma_wait3A_59 = arith.constant 0 : i32
      %dma_wait3A_60 = tpu.memref_slice %arg4[%run_scoped3A, %dma_wait3A_59] : memref<8x4096xf32, #tpu.memory_space<hbm>> -> memref<1x4096xf32, #tpu.memory_space<hbm>>
      %dma_wait3A_61 = tpu.memref_squeeze %dma_wait3A_60 : memref<1x4096xf32, #tpu.memory_space<hbm>> -> memref<4096xf32, #tpu.memory_space<hbm>>
      %dma_wait3A_62 = arith.constant 0 : i32
      %dma_wait3A_63 = tpu.memref_slice %arg4[%run_scoped3A, %dma_wait3A_62] : memref<8x4096xf32, #tpu.memory_space<hbm>> -> memref<1x4096xf32, #tpu.memory_space<hbm>>
      %dma_wait3A_64 = tpu.memref_squeeze %dma_wait3A_63 : memref<1x4096xf32, #tpu.memory_space<hbm>> -> memref<4096xf32, #tpu.memory_space<hbm>>
      tpu.wait_dma2 semaphore(%run_scoped3A_52 : memref<!tpu.dma_semaphore, #tpu.memory_space<semaphore_mem>>) src(%dma_wait3A_64 : memref<4096xf32, #tpu.memory_space<hbm>>) dst(%arg7 : memref<4096xf32, #tpu.memory_space<vmem>>)
      tpu.yield
    }) : () -> ()
    %run_scoped3A_20 = arith.constant 1 : i32
    "tpu.region"() ({
      %run_scoped3A_52 = tpu.sem_alloc : memref<!tpu.dma_semaphore, #tpu.memory_space<semaphore_mem>>
      %dma_start3A_53 = arith.constant 0 : i32
      %dma_start3A_54 = tpu.memref_slice %arg4[%run_scoped3A_20, %dma_start3A_53] : memref<8x4096xf32, #tpu.memory_space<hbm>> -> memref<1x4096xf32, #tpu.memory_space<hbm>>
      %dma_start3A_55 = tpu.memref_squeeze %dma_start3A_54 : memref<1x4096xf32, #tpu.memory_space<hbm>> -> memref<4096xf32, #tpu.memory_space<hbm>>
      %dma_start3A_56 = arith.constant 0 : i32
      %dma_start3A_57 = tpu.memref_slice %arg4[%run_scoped3A_20, %dma_start3A_56] : memref<8x4096xf32, #tpu.memory_space<hbm>> -> memref<1x4096xf32, #tpu.memory_space<hbm>>
      %dma_start3A_58 = tpu.memref_squeeze %dma_start3A_57 : memref<1x4096xf32, #tpu.memory_space<hbm>> -> memref<4096xf32, #tpu.memory_space<hbm>>
      tpu.enqueue_dma source(%dma_start3A_58 : memref<4096xf32, #tpu.memory_space<hbm>>) target(%arg8 : memref<4096xf32, #tpu.memory_space<vmem>>) target_semaphore(%run_scoped3A_52 : memref<!tpu.dma_semaphore, #tpu.memory_space<semaphore_mem>>)
      %dma_wait3A_59 = arith.constant 0 : i32
      %dma_wait3A_60 = tpu.memref_slice %arg4[%run_scoped3A_20, %dma_wait3A_59] : memref<8x4096xf32, #tpu.memory_space<hbm>> -> memref<1x4096xf32, #tpu.memory_space<hbm>>
      %dma_wait3A_61 = tpu.memref_squeeze %dma_wait3A_60 : memref<1x4096xf32, #tpu.memory_space<hbm>> -> memref<4096xf32, #tpu.memory_space<hbm>>
      %dma_wait3A_62 = arith.constant 0 : i32
      %dma_wait3A_63 = tpu.memref_slice %arg4[%run_scoped3A_20, %dma_wait3A_62] : memref<8x4096xf32, #tpu.memory_space<hbm>> -> memref<1x4096xf32, #tpu.memory_space<hbm>>
      %dma_wait3A_64 = tpu.memref_squeeze %dma_wait3A_63 : memref<1x4096xf32, #tpu.memory_space<hbm>> -> memref<4096xf32, #tpu.memory_space<hbm>>
      tpu.wait_dma2 semaphore(%run_scoped3A_52 : memref<!tpu.dma_semaphore, #tpu.memory_space<semaphore_mem>>) src(%dma_wait3A_64 : memref<4096xf32, #tpu.memory_space<hbm>>) dst(%arg8 : memref<4096xf32, #tpu.memory_space<vmem>>)
      tpu.yield
    }) : () -> ()
    %run_scoped3A_21 = arith.constant 2 : i32
    "tpu.region"() ({
      %run_scoped3A_52 = tpu.sem_alloc : memref<!tpu.dma_semaphore, #tpu.memory_space<semaphore_mem>>
      %dma_start3A_53 = arith.constant 0 : i32
      %dma_start3A_54 = tpu.memref_slice %arg4[%run_scoped3A_21, %dma_start3A_53] : memref<8x4096xf32, #tpu.memory_space<hbm>> -> memref<1x4096xf32, #tpu.memory_space<hbm>>
      %dma_start3A_55 = tpu.memref_squeeze %dma_start3A_54 : memref<1x4096xf32, #tpu.memory_space<hbm>> -> memref<4096xf32, #tpu.memory_space<hbm>>
      %dma_start3A_56 = arith.constant 0 : i32
      %dma_start3A_57 = tpu.memref_slice %arg4[%run_scoped3A_21, %dma_start3A_56] : memref<8x4096xf32, #tpu.memory_space<hbm>> -> memref<1x4096xf32, #tpu.memory_space<hbm>>
      %dma_start3A_58 = tpu.memref_squeeze %dma_start3A_57 : memref<1x4096xf32, #tpu.memory_space<hbm>> -> memref<4096xf32, #tpu.memory_space<hbm>>
      tpu.enqueue_dma source(%dma_start3A_58 : memref<4096xf32, #tpu.memory_space<hbm>>) target(%arg9 : memref<4096xf32, #tpu.memory_space<vmem>>) target_semaphore(%run_scoped3A_52 : memref<!tpu.dma_semaphore, #tpu.memory_space<semaphore_mem>>)
      %dma_wait3A_59 = arith.constant 0 : i32
      %dma_wait3A_60 = tpu.memref_slice %arg4[%run_scoped3A_21, %dma_wait3A_59] : memref<8x4096xf32, #tpu.memory_space<hbm>> -> memref<1x4096xf32, #tpu.memory_space<hbm>>
      %dma_wait3A_61 = tpu.memref_squeeze %dma_wait3A_60 : memref<1x4096xf32, #tpu.memory_space<hbm>> -> memref<4096xf32, #tpu.memory_space<hbm>>
      %dma_wait3A_62 = arith.constant 0 : i32
      %dma_wait3A_63 = tpu.memref_slice %arg4[%run_scoped3A_21, %dma_wait3A_62] : memref<8x4096xf32, #tpu.memory_space<hbm>> -> memref<1x4096xf32, #tpu.memory_space<hbm>>
      %dma_wait3A_64 = tpu.memref_squeeze %dma_wait3A_63 : memref<1x4096xf32, #tpu.memory_space<hbm>> -> memref<4096xf32, #tpu.memory_space<hbm>>
      tpu.wait_dma2 semaphore(%run_scoped3A_52 : memref<!tpu.dma_semaphore, #tpu.memory_space<semaphore_mem>>) src(%dma_wait3A_64 : memref<4096xf32, #tpu.memory_space<hbm>>) dst(%arg9 : memref<4096xf32, #tpu.memory_space<vmem>>)
      tpu.yield
    }) : () -> ()
    %run_scoped3A_22 = arith.constant 3 : i32
    "tpu.region"() ({
      %run_scoped3A_52 = tpu.sem_alloc : memref<!tpu.dma_semaphore, #tpu.memory_space<semaphore_mem>>
      %dma_start3A_53 = arith.constant 0 : i32
      %dma_start3A_54 = tpu.memref_slice %arg4[%run_scoped3A_22, %dma_start3A_53] : memref<8x4096xf32, #tpu.memory_space<hbm>> -> memref<1x4096xf32, #tpu.memory_space<hbm>>
      %dma_start3A_55 = tpu.memref_squeeze %dma_start3A_54 : memref<1x4096xf32, #tpu.memory_space<hbm>> -> memref<4096xf32, #tpu.memory_space<hbm>>
      %dma_start3A_56 = arith.constant 0 : i32
      %dma_start3A_57 = tpu.memref_slice %arg4[%run_scoped3A_22, %dma_start3A_56] : memref<8x4096xf32, #tpu.memory_space<hbm>> -> memref<1x4096xf32, #tpu.memory_space<hbm>>
      %dma_start3A_58 = tpu.memref_squeeze %dma_start3A_57 : memref<1x4096xf32, #tpu.memory_space<hbm>> -> memref<4096xf32, #tpu.memory_space<hbm>>
      tpu.enqueue_dma source(%dma_start3A_58 : memref<4096xf32, #tpu.memory_space<hbm>>) target(%arg10 : memref<4096xf32, #tpu.memory_space<vmem>>) target_semaphore(%run_scoped3A_52 : memref<!tpu.dma_semaphore, #tpu.memory_space<semaphore_mem>>)
      %dma_wait3A_59 = arith.constant 0 : i32
      %dma_wait3A_60 = tpu.memref_slice %arg4[%run_scoped3A_22, %dma_wait3A_59] : memref<8x4096xf32, #tpu.memory_space<hbm>> -> memref<1x4096xf32, #tpu.memory_space<hbm>>
      %dma_wait3A_61 = tpu.memref_squeeze %dma_wait3A_60 : memref<1x4096xf32, #tpu.memory_space<hbm>> -> memref<4096xf32, #tpu.memory_space<hbm>>
      %dma_wait3A_62 = arith.constant 0 : i32
      %dma_wait3A_63 = tpu.memref_slice %arg4[%run_scoped3A_22, %dma_wait3A_62] : memref<8x4096xf32, #tpu.memory_space<hbm>> -> memref<1x4096xf32, #tpu.memory_space<hbm>>
      %dma_wait3A_64 = tpu.memref_squeeze %dma_wait3A_63 : memref<1x4096xf32, #tpu.memory_space<hbm>> -> memref<4096xf32, #tpu.memory_space<hbm>>
      tpu.wait_dma2 semaphore(%run_scoped3A_52 : memref<!tpu.dma_semaphore, #tpu.memory_space<semaphore_mem>>) src(%dma_wait3A_64 : memref<4096xf32, #tpu.memory_space<hbm>>) dst(%arg10 : memref<4096xf32, #tpu.memory_space<vmem>>)
      tpu.yield
    }) : () -> ()
    %mul3A_23 = arith.constant 63488 : i32
    %mul3A_24 = arith.muli %arg0, %mul3A_23 : i32
    %mul3A_25 = arith.constant 4224 : i32
    %mul3A_26 = arith.muli %arg1, %mul3A_25 : i32
    %add3A_27 = arith.addi %mul3A_24, %mul3A_26 : i32
    %run_scoped3A_28 = arith.constant 0 : i32
    "tpu.region"() ({
      %run_scoped3A_52 = tpu.sem_alloc : memref<!tpu.dma_semaphore, #tpu.memory_space<semaphore_mem>>
      %dma_start3A_53 = tpu.memref_slice %arg2[%run_scoped3A_28, %add3A_27] : memref<2x131072xi32, #tpu.memory_space<hbm>> -> memref<1x4224xi32, #tpu.memory_space<hbm>>
      %dma_start3A_54 = tpu.memref_squeeze %dma_start3A_53 : memref<1x4224xi32, #tpu.memory_space<hbm>> -> memref<4224xi32, #tpu.memory_space<hbm>>
      %dma_start3A_55 = tpu.memref_slice %arg2[%run_scoped3A_28, %add3A_27] : memref<2x131072xi32, #tpu.memory_space<hbm>> -> memref<1x4224xi32, #tpu.memory_space<hbm>>
      %dma_start3A_56 = tpu.memref_squeeze %dma_start3A_55 : memref<1x4224xi32, #tpu.memory_space<hbm>> -> memref<4224xi32, #tpu.memory_space<hbm>>
      tpu.enqueue_dma source(%dma_start3A_56 : memref<4224xi32, #tpu.memory_space<hbm>>) target(%arg11 : memref<4224xi32, #tpu.memory_space<vmem>>) target_semaphore(%run_scoped3A_52 : memref<!tpu.dma_semaphore, #tpu.memory_space<semaphore_mem>>)
      %dma_wait3A_57 = tpu.memref_slice %arg2[%run_scoped3A_28, %add3A_27] : memref<2x131072xi32, #tpu.memory_space<hbm>> -> memref<1x4224xi32, #tpu.memory_space<hbm>>
      %dma_wait3A_58 = tpu.memref_squeeze %dma_wait3A_57 : memref<1x4224xi32, #tpu.memory_space<hbm>> -> memref<4224xi32, #tpu.memory_space<hbm>>
      %dma_wait3A_59 = tpu.memref_slice %arg2[%run_scoped3A_28, %add3A_27] : memref<2x131072xi32, #tpu.memory_space<hbm>> -> memref<1x4224xi32, #tpu.memory_space<hbm>>
      %dma_wait3A_60 = tpu.memref_squeeze %dma_wait3A_59 : memref<1x4224xi32, #tpu.memory_space<hbm>> -> memref<4224xi32, #tpu.memory_space<hbm>>
      tpu.wait_dma2 semaphore(%run_scoped3A_52 : memref<!tpu.dma_semaphore, #tpu.memory_space<semaphore_mem>>) src(%dma_wait3A_60 : memref<4224xi32, #tpu.memory_space<hbm>>) dst(%arg11 : memref<4224xi32, #tpu.memory_space<vmem>>)
      tpu.yield
    }) : () -> ()
    %run_scoped3A_29 = arith.constant 1 : i32
    "tpu.region"() ({
      %run_scoped3A_52 = tpu.sem_alloc : memref<!tpu.dma_semaphore, #tpu.memory_space<semaphore_mem>>
      %dma_start3A_53 = tpu.memref_slice %arg2[%run_scoped3A_29, %add3A_27] : memref<2x131072xi32, #tpu.memory_space<hbm>> -> memref<1x4224xi32, #tpu.memory_space<hbm>>
      %dma_start3A_54 = tpu.memref_squeeze %dma_start3A_53 : memref<1x4224xi32, #tpu.memory_space<hbm>> -> memref<4224xi32, #tpu.memory_space<hbm>>
      %dma_start3A_55 = tpu.memref_slice %arg2[%run_scoped3A_29, %add3A_27] : memref<2x131072xi32, #tpu.memory_space<hbm>> -> memref<1x4224xi32, #tpu.memory_space<hbm>>
      %dma_start3A_56 = tpu.memref_squeeze %dma_start3A_55 : memref<1x4224xi32, #tpu.memory_space<hbm>> -> memref<4224xi32, #tpu.memory_space<hbm>>
      tpu.enqueue_dma source(%dma_start3A_56 : memref<4224xi32, #tpu.memory_space<hbm>>) target(%arg12 : memref<4224xi32, #tpu.memory_space<vmem>>) target_semaphore(%run_scoped3A_52 : memref<!tpu.dma_semaphore, #tpu.memory_space<semaphore_mem>>)
      %dma_wait3A_57 = tpu.memref_slice %arg2[%run_scoped3A_29, %add3A_27] : memref<2x131072xi32, #tpu.memory_space<hbm>> -> memref<1x4224xi32, #tpu.memory_space<hbm>>
      %dma_wait3A_58 = tpu.memref_squeeze %dma_wait3A_57 : memref<1x4224xi32, #tpu.memory_space<hbm>> -> memref<4224xi32, #tpu.memory_space<hbm>>
      %dma_wait3A_59 = tpu.memref_slice %arg2[%run_scoped3A_29, %add3A_27] : memref<2x131072xi32, #tpu.memory_space<hbm>> -> memref<1x4224xi32, #tpu.memory_space<hbm>>
      %dma_wait3A_60 = tpu.memref_squeeze %dma_wait3A_59 : memref<1x4224xi32, #tpu.memory_space<hbm>> -> memref<4224xi32, #tpu.memory_space<hbm>>
      tpu.wait_dma2 semaphore(%run_scoped3A_52 : memref<!tpu.dma_semaphore, #tpu.memory_space<semaphore_mem>>) src(%dma_wait3A_60 : memref<4224xi32, #tpu.memory_space<hbm>>) dst(%arg12 : memref<4224xi32, #tpu.memory_space<vmem>>)
      tpu.yield
    }) : () -> ()
    "tpu.region"() ({
      %run_scoped3A_52 = tpu.sem_alloc : memref<!tpu.dma_semaphore, #tpu.memory_space<semaphore_mem>>
      %dma_start3A_53 = arith.constant 0 : i32
      %dma_start3A_54 = tpu.memref_slice %arg13[%dma_start3A_53] : memref<4240xi32, #tpu.memory_space<vmem>> -> memref<4224xi32, #tpu.memory_space<vmem>>
      %dma_start3A_55 = tpu.memref_slice %arg3[%add3A_27] : memref<131072xi32, #tpu.memory_space<hbm>> -> memref<4224xi32, #tpu.memory_space<hbm>>
      %dma_start3A_56 = arith.constant 0 : i32
      %dma_start3A_57 = tpu.memref_slice %arg13[%dma_start3A_56] : memref<4240xi32, #tpu.memory_space<vmem>> -> memref<4224xi32, #tpu.memory_space<vmem>>
      %dma_start3A_58 = tpu.memref_slice %arg3[%add3A_27] : memref<131072xi32, #tpu.memory_space<hbm>> -> memref<4224xi32, #tpu.memory_space<hbm>>
      tpu.enqueue_dma source(%dma_start3A_58 : memref<4224xi32, #tpu.memory_space<hbm>>) target(%dma_start3A_57 : memref<4224xi32, #tpu.memory_space<vmem>>) target_semaphore(%run_scoped3A_52 : memref<!tpu.dma_semaphore, #tpu.memory_space<semaphore_mem>>)
      %dma_wait3A_59 = arith.constant 0 : i32
      %dma_wait3A_60 = tpu.memref_slice %arg13[%dma_wait3A_59] : memref<4240xi32, #tpu.memory_space<vmem>> -> memref<4224xi32, #tpu.memory_space<vmem>>
      %dma_wait3A_61 = tpu.memref_slice %arg3[%add3A_27] : memref<131072xi32, #tpu.memory_space<hbm>> -> memref<4224xi32, #tpu.memory_space<hbm>>
      %dma_wait3A_62 = arith.constant 0 : i32
      %dma_wait3A_63 = tpu.memref_slice %arg13[%dma_wait3A_62] : memref<4240xi32, #tpu.memory_space<vmem>> -> memref<4224xi32, #tpu.memory_space<vmem>>
      %dma_wait3A_64 = tpu.memref_slice %arg3[%add3A_27] : memref<131072xi32, #tpu.memory_space<hbm>> -> memref<4224xi32, #tpu.memory_space<hbm>>
      tpu.wait_dma2 semaphore(%run_scoped3A_52 : memref<!tpu.dma_semaphore, #tpu.memory_space<semaphore_mem>>) src(%dma_wait3A_64 : memref<4224xi32, #tpu.memory_space<hbm>>) dst(%dma_wait3A_63 : memref<4224xi32, #tpu.memory_space<vmem>>)
      tpu.yield
    }) : () -> ()
    %eq3A = arith.constant 0 : i32
    %eq3A_30 = arith.cmpi eq, %arg0, %eq3A : i32
    %lt3A = arith.constant 15 : i32
    %lt3A_31 = arith.cmpi slt, %arg1, %lt3A : i32
    %or3A = arith.ori %eq3A_30, %lt3A_31 : i1
    %convert_element_type3A = arith.extui %or3A : i1 to i32
    %cond3A = arith.constant 0 : i32
    %cond3A_32 = arith.cmpi ne, %convert_element_type3A, %cond3A : i32
    scf.if %cond3A_32 {
      %add3A_52 = arith.constant 4224 : i32
      %add3A_53 = arith.addi %add3A_27, %add3A_52 : i32
      "tpu.region"() ({
        %run_scoped3A_54 = tpu.sem_alloc : memref<!tpu.dma_semaphore, #tpu.memory_space<semaphore_mem>>
        %dma_start3A_55 = arith.constant 4224 : i32
        %dma_start3A_56 = tpu.memref_slice %arg13[%dma_start3A_55] : memref<4240xi32, #tpu.memory_space<vmem>> -> memref<16xi32, #tpu.memory_space<vmem>>
        %dma_start3A_57 = tpu.memref_slice %arg3[%add3A_53] : memref<131072xi32, #tpu.memory_space<hbm>> -> memref<16xi32, #tpu.memory_space<hbm>>
        %dma_start3A_58 = arith.constant 4224 : i32
        %dma_start3A_59 = tpu.memref_slice %arg13[%dma_start3A_58] : memref<4240xi32, #tpu.memory_space<vmem>> -> memref<16xi32, #tpu.memory_space<vmem>>
        %dma_start3A_60 = tpu.memref_slice %arg3[%add3A_53] : memref<131072xi32, #tpu.memory_space<hbm>> -> memref<16xi32, #tpu.memory_space<hbm>>
        tpu.enqueue_dma source(%dma_start3A_60 : memref<16xi32, #tpu.memory_space<hbm>>) target(%dma_start3A_59 : memref<16xi32, #tpu.memory_space<vmem>>) target_semaphore(%run_scoped3A_54 : memref<!tpu.dma_semaphore, #tpu.memory_space<semaphore_mem>>)
        %dma_wait3A_61 = arith.constant 4224 : i32
        %dma_wait3A_62 = tpu.memref_slice %arg13[%dma_wait3A_61] : memref<4240xi32, #tpu.memory_space<vmem>> -> memref<16xi32, #tpu.memory_space<vmem>>
        %dma_wait3A_63 = tpu.memref_slice %arg3[%add3A_53] : memref<131072xi32, #tpu.memory_space<hbm>> -> memref<16xi32, #tpu.memory_space<hbm>>
        %dma_wait3A_64 = arith.constant 4224 : i32
        %dma_wait3A_65 = tpu.memref_slice %arg13[%dma_wait3A_64] : memref<4240xi32, #tpu.memory_space<vmem>> -> memref<16xi32, #tpu.memory_space<vmem>>
        %dma_wait3A_66 = tpu.memref_slice %arg3[%add3A_53] : memref<131072xi32, #tpu.memory_space<hbm>> -> memref<16xi32, #tpu.memory_space<hbm>>
        tpu.wait_dma2 semaphore(%run_scoped3A_54 : memref<!tpu.dma_semaphore, #tpu.memory_space<semaphore_mem>>) src(%dma_wait3A_66 : memref<16xi32, #tpu.memory_space<hbm>>) dst(%dma_wait3A_65 : memref<16xi32, #tpu.memory_space<vmem>>)
        tpu.yield
      }) : () -> ()
    } else {
    }
    %eq3A_33 = arith.constant 1 : i32
    %eq3A_34 = arith.cmpi eq, %arg0, %eq3A_33 : i32
    %eq3A_35 = arith.constant 15 : i32
    %eq3A_36 = arith.cmpi eq, %arg1, %eq3A_35 : i32
    %and3A = arith.andi %eq3A_34, %eq3A_36 : i1
    %convert_element_type3A_37 = arith.extui %and3A : i1 to i32
    %cond3A_38 = arith.constant 0 : i32
    %cond3A_39 = arith.cmpi ne, %convert_element_type3A_37, %cond3A_38 : i32
    scf.if %cond3A_39 {
      %broadcast_in_dim3A = arith.constant 2147483647 : i32
      %broadcast_in_dim3A_52 = vector.broadcast %broadcast_in_dim3A : i32 to vector<16xi32>
      %swap3A = arith.constant 4224 : index
      %swap3A_53 = tpu.vector_load %arg13[%swap3A] {strides = array<i32>} : memref<4240xi32, #tpu.memory_space<vmem>>, vector<16xi32>,
      tpu.vector_store %arg13[%swap3A], %broadcast_in_dim3A_52 {strides = array<i32>} : memref<4240xi32, #tpu.memory_space<vmem>>, vector<16xi32>,
    } else {
    }
    %mul3A_40 = arith.constant 2048 : i32
    %mul3A_41 = arith.muli %arg0, %mul3A_40 : i32
    %add3A_42 = arith.constant 2048 : i32
    %add3A_43 = arith.addi %mul3A_41, %add3A_42 : i32
    %scan3A_44 = arith.constant 0 : i32
    %scan3A_45 = arith.constant 0 : i32
    %scan3A_46 = arith.constant 264 : i32
    %scan3A_47 = arith.addi %scan3A_45, %scan3A_46 : i32
    %scan3A_48 = arith.constant 1 : i32
    scf.for %scan3A_52 = %scan3A_45 to %scan3A_47 step %scan3A_48  : i32 {
      %mul3A_53 = arith.constant 16 : i32
      %mul3A_54 = arith.muli %scan3A_52, %mul3A_53 : i32
      %get3A = arith.index_cast %mul3A_54 : i32 to index
      %get3A_55 = tpu.vector_load %arg11[%get3A] {strides = array<i32>} : memref<4224xi32, #tpu.memory_space<vmem>>, vector<16xi32>,
      %mul3A_56 = arith.constant 16 : i32
      %mul3A_57 = arith.muli %scan3A_52, %mul3A_56 : i32
      %get3A_58 = arith.index_cast %mul3A_57 : i32 to index
      %get3A_59 = tpu.vector_load %arg12[%get3A_58] {strides = array<i32>} : memref<4224xi32, #tpu.memory_space<vmem>>, vector<16xi32>,
      %gather3A = tpu.vector_load_idx %arg7[%get3A_55] : memref<4096xf32, #tpu.memory_space<vmem>>[vector<16xi32>], vector<16xf32>,
      %gather3A_60 = tpu.vector_load_idx %arg9[%get3A_59] : memref<4096xf32, #tpu.memory_space<vmem>>[vector<16xi32>], vector<16xf32>,
      %add3A_61 = arith.addf %gather3A, %gather3A_60 : vector<16xf32>
      %gt3A = arith.constant 0.000000e+00 : f32
      %gt3A_62 = vector.broadcast %gt3A : f32 to vector<16xf32>
      %gt3A_63 = arith.cmpf ogt, %add3A_61, %gt3A_62 : vector<16xf32>
      %mul3A_64 = arith.constant 2.000000e-01 : f32
      %mul3A_65 = vector.broadcast %mul3A_64 : f32 to vector<16xf32>
      %mul3A_66 = arith.mulf %mul3A_65, %add3A_61 : vector<16xf32>
      %select_n3A = arith.select %gt3A_63, %add3A_61, %mul3A_66 : vector<16xi1>, vector<16xf32>
      %gather3A_67 = tpu.vector_load_idx %arg8[%get3A_55] : memref<4096xf32, #tpu.memory_space<vmem>>[vector<16xi32>], vector<16xf32>,
      %gather3A_68 = tpu.vector_load_idx %arg10[%get3A_59] : memref<4096xf32, #tpu.memory_space<vmem>>[vector<16xi32>], vector<16xf32>,
      %add3A_69 = arith.addf %gather3A_67, %gather3A_68 : vector<16xf32>
      %gt3A_70 = arith.constant 0.000000e+00 : f32
      %gt3A_71 = vector.broadcast %gt3A_70 : f32 to vector<16xf32>
      %gt3A_72 = arith.cmpf ogt, %add3A_69, %gt3A_71 : vector<16xf32>
      %mul3A_73 = arith.constant 2.000000e-01 : f32
      %mul3A_74 = vector.broadcast %mul3A_73 : f32 to vector<16xf32>
      %mul3A_75 = arith.mulf %mul3A_74, %add3A_69 : vector<16xf32>
      %select_n3A_76 = arith.select %gt3A_72, %add3A_69, %mul3A_75 : vector<16xi1>, vector<16xf32>
      %bitcast3A = vector.bitcast %select_n3A : vector<16xf32> to vector<16xi32>
      %shift_right_logical3A = arith.constant 16 : i32
      %shift_right_logical3A_77 = vector.broadcast %shift_right_logical3A : i32 to vector<16xi32>
      %shift_right_logical3A_78 = arith.shrui %bitcast3A, %shift_right_logical3A_77 : vector<16xi32>
      %and3A_79 = arith.constant 32768 : i32
      %and3A_80 = vector.broadcast %and3A_79 : i32 to vector<16xi32>
      %and3A_81 = arith.andi %shift_right_logical3A_78, %and3A_80 : vector<16xi32>
      %shift_right_logical3A_82 = arith.constant 23 : i32
      %shift_right_logical3A_83 = vector.broadcast %shift_right_logical3A_82 : i32 to vector<16xi32>
      %shift_right_logical3A_84 = arith.shrui %bitcast3A, %shift_right_logical3A_83 : vector<16xi32>
      %and3A_85 = arith.constant 255 : i32
      %and3A_86 = vector.broadcast %and3A_85 : i32 to vector<16xi32>
      %and3A_87 = arith.andi %shift_right_logical3A_84, %and3A_86 : vector<16xi32>
      %and3A_88 = arith.constant 8388607 : i32
      %and3A_89 = vector.broadcast %and3A_88 : i32 to vector<16xi32>
      %and3A_90 = arith.andi %bitcast3A, %and3A_89 : vector<16xi32>
      %sub3A = arith.constant 112 : i32
      %sub3A_91 = vector.broadcast %sub3A : i32 to vector<16xi32>
      %sub3A_92 = arith.subi %and3A_87, %sub3A_91 : vector<16xi32>
      %shift_left3A = arith.constant 10 : i32
      %shift_left3A_93 = vector.broadcast %shift_left3A : i32 to vector<16xi32>
      %shift_left3A_94 = arith.shli %sub3A_92, %shift_left3A_93 : vector<16xi32>
      %shift_right_logical3A_95 = arith.constant 13 : i32
      %shift_right_logical3A_96 = vector.broadcast %shift_right_logical3A_95 : i32 to vector<16xi32>
      %shift_right_logical3A_97 = arith.shrui %and3A_90, %shift_right_logical3A_96 : vector<16xi32>
      %or3A_98 = arith.ori %shift_left3A_94, %shift_right_logical3A_97 : vector<16xi32>
      %shift_right_logical3A_99 = arith.constant 12 : i32
      %shift_right_logical3A_100 = vector.broadcast %shift_right_logical3A_99 : i32 to vector<16xi32>
      %shift_right_logical3A_101 = arith.shrui %and3A_90, %shift_right_logical3A_100 : vector<16xi32>
      %and3A_102 = arith.constant 1 : i32
      %and3A_103 = vector.broadcast %and3A_102 : i32 to vector<16xi32>
      %and3A_104 = arith.andi %shift_right_logical3A_101, %and3A_103 : vector<16xi32>
      %add3A_105 = arith.addi %or3A_98, %and3A_104 : vector<16xi32>
      %gt3A_106 = arith.constant 112 : i32
      %gt3A_107 = vector.broadcast %gt3A_106 : i32 to vector<16xi32>
      %gt3A_108 = arith.cmpi sgt, %and3A_87, %gt3A_107 : vector<16xi32>
      %or3A_109 = arith.ori %and3A_81, %add3A_105 : vector<16xi32>
      %jit3A = arith.constant 0 : i32
      %broadcast_in_dim3A = vector.broadcast %jit3A : i32 to vector<16xi32>
      %select_n3A_110 = arith.select %gt3A_108, %or3A_109, %broadcast_in_dim3A : vector<16xi1>, vector<16xi32>
      %bitcast3A_111 = vector.bitcast %select_n3A_76 : vector<16xf32> to vector<16xi32>
      %shift_right_logical3A_112 = arith.constant 16 : i32
      %shift_right_logical3A_113 = vector.broadcast %shift_right_logical3A_112 : i32 to vector<16xi32>
      %shift_right_logical3A_114 = arith.shrui %bitcast3A_111, %shift_right_logical3A_113 : vector<16xi32>
      %and3A_115 = arith.constant 32768 : i32
      %and3A_116 = vector.broadcast %and3A_115 : i32 to vector<16xi32>
      %and3A_117 = arith.andi %shift_right_logical3A_114, %and3A_116 : vector<16xi32>
      %shift_right_logical3A_118 = arith.constant 23 : i32
      %shift_right_logical3A_119 = vector.broadcast %shift_right_logical3A_118 : i32 to vector<16xi32>
      %shift_right_logical3A_120 = arith.shrui %bitcast3A_111, %shift_right_logical3A_119 : vector<16xi32>
      %and3A_121 = arith.constant 255 : i32
      %and3A_122 = vector.broadcast %and3A_121 : i32 to vector<16xi32>
      %and3A_123 = arith.andi %shift_right_logical3A_120, %and3A_122 : vector<16xi32>
      %and3A_124 = arith.constant 8388607 : i32
      %and3A_125 = vector.broadcast %and3A_124 : i32 to vector<16xi32>
      %and3A_126 = arith.andi %bitcast3A_111, %and3A_125 : vector<16xi32>
      %sub3A_127 = arith.constant 112 : i32
      %sub3A_128 = vector.broadcast %sub3A_127 : i32 to vector<16xi32>
      %sub3A_129 = arith.subi %and3A_123, %sub3A_128 : vector<16xi32>
      %shift_left3A_130 = arith.constant 10 : i32
      %shift_left3A_131 = vector.broadcast %shift_left3A_130 : i32 to vector<16xi32>
      %shift_left3A_132 = arith.shli %sub3A_129, %shift_left3A_131 : vector<16xi32>
      %shift_right_logical3A_133 = arith.constant 13 : i32
      %shift_right_logical3A_134 = vector.broadcast %shift_right_logical3A_133 : i32 to vector<16xi32>
      %shift_right_logical3A_135 = arith.shrui %and3A_126, %shift_right_logical3A_134 : vector<16xi32>
      %or3A_136 = arith.ori %shift_left3A_132, %shift_right_logical3A_135 : vector<16xi32>
      %shift_right_logical3A_137 = arith.constant 12 : i32
      %shift_right_logical3A_138 = vector.broadcast %shift_right_logical3A_137 : i32 to vector<16xi32>
      %shift_right_logical3A_139 = arith.shrui %and3A_126, %shift_right_logical3A_138 : vector<16xi32>
      %and3A_140 = arith.constant 1 : i32
      %and3A_141 = vector.broadcast %and3A_140 : i32 to vector<16xi32>
      %and3A_142 = arith.andi %shift_right_logical3A_139, %and3A_141 : vector<16xi32>
      %add3A_143 = arith.addi %or3A_136, %and3A_142 : vector<16xi32>
      %gt3A_144 = arith.constant 112 : i32
      %gt3A_145 = vector.broadcast %gt3A_144 : i32 to vector<16xi32>
      %gt3A_146 = arith.cmpi sgt, %and3A_123, %gt3A_145 : vector<16xi32>
      %or3A_147 = arith.ori %and3A_117, %add3A_143 : vector<16xi32>
      %jit3A_148 = arith.constant 0 : i32
      %broadcast_in_dim3A_149 = vector.broadcast %jit3A_148 : i32 to vector<16xi32>
      %select_n3A_150 = arith.select %gt3A_146, %or3A_147, %broadcast_in_dim3A_149 : vector<16xi1>, vector<16xi32>
      %shift_left3A_151 = arith.constant 16 : i32
      %shift_left3A_152 = vector.broadcast %shift_left3A_151 : i32 to vector<16xi32>
      %shift_left3A_153 = arith.shli %select_n3A_150, %shift_left3A_152 : vector<16xi32>
      %or3A_154 = arith.ori %select_n3A_110, %shift_left3A_153 : vector<16xi32>
      %mul3A_155 = arith.constant 16 : i32
      %mul3A_156 = arith.muli %scan3A_52, %mul3A_155 : i32
      %swap3A = arith.index_cast %mul3A_156 : i32 to index
      %swap3A_157 = tpu.vector_load %arg15[%swap3A] {strides = array<i32>} : memref<4224xi32, #tpu.memory_space<vmem>>, vector<16xi32>,
      tpu.vector_store %arg15[%swap3A], %or3A_154 {strides = array<i32>} : memref<4224xi32, #tpu.memory_space<vmem>>, vector<16xi32>,
      %mul3A_158 = arith.constant 16 : i32
      %mul3A_159 = arith.muli %scan3A_52, %mul3A_158 : i32
      %get3A_160 = arith.index_cast %mul3A_159 : i32 to index
      %get3A_161 = tpu.vector_load %arg13[%get3A_160] {strides = array<i32>} : memref<4240xi32, #tpu.memory_space<vmem>>, vector<16xi32>,
      %mul3A_162 = arith.constant 16 : i32
      %mul3A_163 = arith.muli %scan3A_52, %mul3A_162 : i32
      %add3A_164 = arith.constant 1 : i32
      %add3A_165 = arith.addi %mul3A_163, %add3A_164 : i32
      %get3A_166 = arith.index_cast %add3A_165 : i32 to index
      %get3A_167 = tpu.vector_load %arg13[%get3A_166] {strides = array<i32>} : memref<4240xi32, #tpu.memory_space<vmem>>, vector<16xi32>,
      %shift_right_logical3A_168 = arith.constant 12 : i32
      %shift_right_logical3A_169 = vector.broadcast %shift_right_logical3A_168 : i32 to vector<16xi32>
      %shift_right_logical3A_170 = arith.shrui %get3A_161, %shift_right_logical3A_169 : vector<16xi32>
      %ge3A = vector.broadcast %mul3A_41 : i32 to vector<16xi32>
      %ge3A_171 = arith.cmpi sge, %shift_right_logical3A_170, %ge3A : vector<16xi32>
      %lt3A_172 = vector.broadcast %add3A_43 : i32 to vector<16xi32>
      %lt3A_173 = arith.cmpi slt, %shift_right_logical3A_170, %lt3A_172 : vector<16xi32>
      %and3A_174 = arith.andi %ge3A_171, %lt3A_173 : vector<16xi1>
      %ne3A = arith.cmpi ne, %get3A_161, %get3A_167 : vector<16xi32>
      %and3A_175 = arith.andi %and3A_174, %ne3A : vector<16xi1>
      %and3A_176 = arith.constant 4095 : i32
      %and3A_177 = vector.broadcast %and3A_176 : i32 to vector<16xi32>
      %and3A_178 = arith.andi %get3A_161, %and3A_177 : vector<16xi32>
      %add3A_179 = arith.constant 16777216 : i32
      %add3A_180 = vector.broadcast %add3A_179 : i32 to vector<16xi32>
      %add3A_181 = arith.addi %add3A_180, %and3A_178 : vector<16xi32>
      %select_n3A_182 = arith.select %and3A_175, %get3A_161, %add3A_181 : vector<16xi1>, vector<16xi32>
      %mul3A_183 = arith.constant 16 : i32
      %mul3A_184 = arith.muli %scan3A_52, %mul3A_183 : i32
      %swap3A_185 = arith.index_cast %mul3A_184 : i32 to index
      %swap3A_186 = tpu.vector_load %arg14[%swap3A_185] {strides = array<i32>} : memref<4224xi32, #tpu.memory_space<vmem>>, vector<16xi32>,
      tpu.vector_store %arg14[%swap3A_185], %select_n3A_182 {strides = array<i32>} : memref<4224xi32, #tpu.memory_space<vmem>>, vector<16xi32>,
    }
    %scan3A_49 = arith.constant 264 : i32
    %dma_start3A = arith.constant 0 : i32
    %dma_start3A_50 = tpu.memref_slice %arg5[%dma_start3A] : memref<16781312xi32, #tpu.memory_space<hbm>> -> memref<16781312xi32, #tpu.memory_space<hbm>>
    tpu.enqueue_indirect_dma source(%arg15 : memref<4224xi32, #tpu.memory_space<vmem>>) target(%dma_start3A_50 : memref<16781312xi32, #tpu.memory_space<hbm>>) offsets(%arg14 : memref<4224xi32, #tpu.memory_space<vmem>>) semaphore(%arg16 : memref<!tpu.dma_semaphore, #tpu.memory_space<semaphore_mem>>)
    %dma_wait3A = arith.constant 0 : i32
    %dma_wait3A_51 = tpu.memref_slice %arg5[%dma_wait3A] : memref<16781312xi32, #tpu.memory_space<hbm>> -> memref<16781312xi32, #tpu.memory_space<hbm>>
    tpu.wait_indirect_dma semaphore(%arg16 : memref<!tpu.dma_semaphore, #tpu.memory_space<semaphore_mem>>) src(%arg15 : memref<4224xi32, #tpu.memory_space<vmem>>) dst(%dma_wait3A_51 : memref<16781312xi32, #tpu.memory_space<hbm>>)
    return
  }
}

module attributes {stable_mosaic.version = 14 : i64} {
  func.func @_proj_body(%arg0: i32, %arg1: memref<512x256xf32, #tpu.memory_space<vmem>>, %arg2: memref<256x256xf32, #tpu.memory_space<vmem>>, %arg3: memref<1x256xf32, #tpu.memory_space<vmem>>, %arg4: memref<8x256xf32, #tpu.memory_space<vmem>>, %arg5: memref<512x256xf32, #tpu.memory_space<vmem>>, %arg6: memref<8x512xf32, #tpu.memory_space<vmem>>) attributes {dimension_semantics = [#tpu.dimension_semantics<arbitrary>], iteration_bounds = array<i64: 8>, scalar_prefetch = 0 : i64, scratch_operands = 0 : i64, tpu.core_type = #tpu.core_type<tc>, window_params = [{transform_indices = @transform_0, window_bounds = array<i64: 512, 256>}, {pipeline_mode = #tpu.pipeline_mode<synchronous>, transform_indices = @transform_1, window_bounds = array<i64: 256, 256>}, {pipeline_mode = #tpu.pipeline_mode<synchronous>, transform_indices = @transform_2, window_bounds = array<i64: 1, 256>}, {pipeline_mode = #tpu.pipeline_mode<synchronous>, transform_indices = @transform_3, window_bounds = array<i64: 8, 256>}, {transform_indices = @transform_4, window_bounds = array<i64: 512, 256>}, {transform_indices = @transform_5, window_bounds = array<i64: 8, 512>}]} {
    %get3A = arith.constant 0 : index
    %get3A_0 = arith.constant 0 : index
    %get3A_1 = vector.load %arg1[%get3A, %get3A_0] : memref<512x256xf32, #tpu.memory_space<vmem>>, vector<512x256xf32>
    %get3A_2 = arith.constant 0 : index
    %get3A_3 = arith.constant 0 : index
    %get3A_4 = vector.load %arg2[%get3A_2, %get3A_3] : memref<256x256xf32, #tpu.memory_space<vmem>>, vector<256x256xf32>
    %dot_general3A = arith.constant dense<0.000000e+00> : vector<512x256xf32>
    %dot_general3A_5 = tpu.matmul %get3A_1, %get3A_4, %dot_general3A {dimension_numbers = #tpu.dot_dimension_numbers<[1], [1], [0], [0], [0, 0, 1, 0], [], []>, transpose_lhs_hint = false} : vector<512x256xf32>, vector<256x256xf32>, vector<512x256xf32> -> vector<512x256xf32>
    %get3A_6 = arith.constant 0 : index
    %get3A_7 = arith.constant 0 : index
    %get3A_8 = vector.load %arg3[%get3A_6, %get3A_7] : memref<1x256xf32, #tpu.memory_space<vmem>>, vector<1x256xf32>
    %add3A = vector.broadcast %get3A_8 : vector<1x256xf32> to vector<512x256xf32>
    %add3A_9 = arith.addf %dot_general3A_5, %add3A : vector<512x256xf32>
    %swap3A = arith.constant 0 : index
    %swap3A_10 = arith.constant 0 : index
    %swap3A_11 = vector.load %arg5[%swap3A, %swap3A_10] : memref<512x256xf32, #tpu.memory_space<vmem>>, vector<512x256xf32>
    tpu.vector_store %arg5[%swap3A, %swap3A_10], %add3A_9 {strides = array<i32>} : memref<512x256xf32, #tpu.memory_space<vmem>>, vector<512x256xf32>,
    %get3A_12 = arith.constant 0 : index
    %get3A_13 = arith.constant 0 : index
    %get3A_14 = vector.load %arg4[%get3A_12, %get3A_13] : memref<8x256xf32, #tpu.memory_space<vmem>>, vector<8x256xf32>
    %dot_general3A_15 = arith.constant dense<0.000000e+00> : vector<8x512xf32>
    %dot_general3A_16 = tpu.matmul %get3A_14, %add3A_9, %dot_general3A_15 {dimension_numbers = #tpu.dot_dimension_numbers<[1], [1], [0], [0], [0, 0, 1, 0], [], []>, transpose_lhs_hint = false} : vector<8x256xf32>, vector<512x256xf32>, vector<8x512xf32> -> vector<8x512xf32>
    %swap3A_17 = arith.constant 0 : index
    %swap3A_18 = arith.constant 0 : index
    %swap3A_19 = vector.load %arg6[%swap3A_17, %swap3A_18] : memref<8x512xf32, #tpu.memory_space<vmem>>, vector<8x512xf32>
    tpu.vector_store %arg6[%swap3A_17, %swap3A_18], %dot_general3A_16 {strides = array<i32>} : memref<8x512xf32, #tpu.memory_space<vmem>>, vector<8x512xf32>,
    return
  }
  func.func @transform_0(%arg0: i32) -> (i32, i32) {
    %c0_i32 = arith.constant 0 : i32
    %c0_i32_0 = arith.constant 0 : i32
    return %arg0, %c0_i32 : i32, i32
  }
  func.func @transform_1(%arg0: i32) -> (i32, i32) {
    %c0_i32 = arith.constant 0 : i32
    %c0_i32_0 = arith.constant 0 : i32
    %c0_i32_1 = arith.constant 0 : i32
    return %c0_i32, %c0_i32_0 : i32, i32
  }
  func.func @transform_2(%arg0: i32) -> (i32, i32) {
    %c0_i32 = arith.constant 0 : i32
    %c0_i32_0 = arith.constant 0 : i32
    %c0_i32_1 = arith.constant 0 : i32
    return %c0_i32, %c0_i32_0 : i32, i32
  }
  func.func @transform_3(%arg0: i32) -> (i32, i32) {
    %c0_i32 = arith.constant 0 : i32
    %c0_i32_0 = arith.constant 0 : i32
    %c0_i32_1 = arith.constant 0 : i32
    return %c0_i32, %c0_i32_0 : i32, i32
  }
  func.func @transform_4(%arg0: i32) -> (i32, i32) {
    %c0_i32 = arith.constant 0 : i32
    %c0_i32_0 = arith.constant 0 : i32
    return %arg0, %c0_i32 : i32, i32
  }
  func.func @transform_5(%arg0: i32) -> (i32, i32) {
    %c0_i32 = arith.constant 0 : i32
    %c0_i32_0 = arith.constant 0 : i32
    return %c0_i32, %arg0 : i32, i32
  }
}

module attributes {stable_mosaic.version = 14 : i64} {
  func.func @_att_body(%arg0: i32, %arg1: memref<256x4096xi32, #tpu.memory_space<vmem>>, %arg2: memref<4096x256xf32, #tpu.memory_space<vmem>>, %arg3: memref<256x256xf32, #tpu.memory_space<vmem>>) attributes {dimension_semantics = [#tpu.dimension_semantics<arbitrary>], iteration_bounds = array<i64: 16>, scalar_prefetch = 0 : i64, scratch_operands = 0 : i64, tpu.core_type = #tpu.core_type<tc>, window_params = [{transform_indices = @transform_0, window_bounds = array<i64: 256, 4096>}, {pipeline_mode = #tpu.pipeline_mode<synchronous>, transform_indices = @transform_1, window_bounds = array<i64: 4096, 256>}, {transform_indices = @transform_2, window_bounds = array<i64: 256, 256>}]} {
    %get3A = arith.constant 0 : index
    %get3A_0 = arith.constant 0 : index
    %get3A_1 = vector.load %arg1[%get3A, %get3A_0] : memref<256x4096xi32, #tpu.memory_space<vmem>>, vector<256x4096xi32>
    %shift_right_logical3A = arith.constant 0 : i32
    %shift_right_logical3A_2 = vector.broadcast %shift_right_logical3A : i32 to vector<256x4096xi32>
    %shift_right_logical3A_3 = arith.shrui %get3A_1, %shift_right_logical3A_2 : vector<256x4096xi32>
    %and3A = arith.constant 65535 : i32
    %and3A_4 = vector.broadcast %and3A : i32 to vector<256x4096xi32>
    %and3A_5 = arith.andi %shift_right_logical3A_3, %and3A_4 : vector<256x4096xi32>
    %shift_right_logical3A_6 = arith.constant 10 : i32
    %shift_right_logical3A_7 = vector.broadcast %shift_right_logical3A_6 : i32 to vector<256x4096xi32>
    %shift_right_logical3A_8 = arith.shrui %and3A_5, %shift_right_logical3A_7 : vector<256x4096xi32>
    %and3A_9 = arith.constant 31 : i32
    %and3A_10 = vector.broadcast %and3A_9 : i32 to vector<256x4096xi32>
    %and3A_11 = arith.andi %shift_right_logical3A_8, %and3A_10 : vector<256x4096xi32>
    %shift_right_logical3A_12 = arith.constant 15 : i32
    %shift_right_logical3A_13 = vector.broadcast %shift_right_logical3A_12 : i32 to vector<256x4096xi32>
    %shift_right_logical3A_14 = arith.shrui %and3A_5, %shift_right_logical3A_13 : vector<256x4096xi32>
    %and3A_15 = arith.constant 1 : i32
    %and3A_16 = vector.broadcast %and3A_15 : i32 to vector<256x4096xi32>
    %and3A_17 = arith.andi %shift_right_logical3A_14, %and3A_16 : vector<256x4096xi32>
    %shift_left3A = arith.constant 31 : i32
    %shift_left3A_18 = vector.broadcast %shift_left3A : i32 to vector<256x4096xi32>
    %shift_left3A_19 = arith.shli %and3A_17, %shift_left3A_18 : vector<256x4096xi32>
    %add3A = arith.constant 112 : i32
    %add3A_20 = vector.broadcast %add3A : i32 to vector<256x4096xi32>
    %add3A_21 = arith.addi %and3A_11, %add3A_20 : vector<256x4096xi32>
    %shift_left3A_22 = arith.constant 23 : i32
    %shift_left3A_23 = vector.broadcast %shift_left3A_22 : i32 to vector<256x4096xi32>
    %shift_left3A_24 = arith.shli %add3A_21, %shift_left3A_23 : vector<256x4096xi32>
    %or3A = arith.ori %shift_left3A_19, %shift_left3A_24 : vector<256x4096xi32>
    %and3A_25 = arith.constant 1023 : i32
    %and3A_26 = vector.broadcast %and3A_25 : i32 to vector<256x4096xi32>
    %and3A_27 = arith.andi %and3A_5, %and3A_26 : vector<256x4096xi32>
    %shift_left3A_28 = arith.constant 13 : i32
    %shift_left3A_29 = vector.broadcast %shift_left3A_28 : i32 to vector<256x4096xi32>
    %shift_left3A_30 = arith.shli %and3A_27, %shift_left3A_29 : vector<256x4096xi32>
    %or3A_31 = arith.ori %or3A, %shift_left3A_30 : vector<256x4096xi32>
    %eq3A = arith.constant 0 : i32
    %eq3A_32 = vector.broadcast %eq3A : i32 to vector<256x4096xi32>
    %eq3A_33 = arith.cmpi eq, %and3A_11, %eq3A_32 : vector<256x4096xi32>
    %bitcast_convert_type3A = tpu.bitcast %or3A_31 : vector<256x4096xi32> -> vector<256x4096xf32>
    %jit3A = arith.constant 0.000000e+00 : f32
    %broadcast_in_dim3A = vector.broadcast %jit3A : f32 to vector<256x4096xf32>
    %select_n3A = arith.select %eq3A_33, %broadcast_in_dim3A, %bitcast_convert_type3A : vector<256x4096xi1>, vector<256x4096xf32>
    %reduce_max3A = arith.constant dense<0xFF800000> : vector<256xf32>
    %reduce_max3A_34 = vector.multi_reduction <maximumf>, %select_n3A, %reduce_max3A [1] : vector<256x4096xf32> to vector<256xf32>
    %broadcast_in_dim3A_35 = vector.shape_cast %reduce_max3A_34 : vector<256xf32> to vector<256x1xf32>
    %sub3A = vector.broadcast %broadcast_in_dim3A_35 : vector<256x1xf32> to vector<256x4096xf32>
    %sub3A_36 = arith.subf %select_n3A, %sub3A : vector<256x4096xf32>
    %exp3A = math.exp %sub3A_36 : vector<256x4096xf32>
    %reduce_sum3A = arith.constant dense<0.000000e+00> : vector<256xf32>
    %reduce_sum3A_37 = vector.multi_reduction <add>, %exp3A, %reduce_sum3A [1] : vector<256x4096xf32> to vector<256xf32>
    %broadcast_in_dim3A_38 = vector.shape_cast %reduce_sum3A_37 : vector<256xf32> to vector<256x1xf32>
    %get3A_39 = arith.constant 0 : index
    %get3A_40 = arith.constant 0 : index
    %get3A_41 = vector.load %arg2[%get3A_39, %get3A_40] : memref<4096x256xf32, #tpu.memory_space<vmem>>, vector<4096x128xf32>
    %dot_general3A = arith.constant dense<0.000000e+00> : vector<256x128xf32>
    %dot_general3A_42 = tpu.matmul %exp3A, %get3A_41, %dot_general3A {dimension_numbers = #tpu.dot_dimension_numbers<[1], [0], [0], [1], [0, 0, 1, 1], [], []>, transpose_lhs_hint = false} : vector<256x4096xf32>, vector<4096x128xf32>, vector<256x128xf32> -> vector<256x128xf32>
    %div3A = vector.broadcast %broadcast_in_dim3A_38 : vector<256x1xf32> to vector<256x128xf32>
    %div3A_43 = arith.divf %dot_general3A_42, %div3A : vector<256x128xf32>
    %swap3A = arith.constant 0 : index
    %swap3A_44 = arith.constant 0 : index
    %swap3A_45 = vector.load %arg3[%swap3A, %swap3A_44] : memref<256x256xf32, #tpu.memory_space<vmem>>, vector<256x128xf32>
    tpu.vector_store %arg3[%swap3A, %swap3A_44], %div3A_43 {strides = array<i32>} : memref<256x256xf32, #tpu.memory_space<vmem>>, vector<256x128xf32>,
    %shift_right_logical3A_46 = arith.constant 16 : i32
    %shift_right_logical3A_47 = vector.broadcast %shift_right_logical3A_46 : i32 to vector<256x4096xi32>
    %shift_right_logical3A_48 = arith.shrui %get3A_1, %shift_right_logical3A_47 : vector<256x4096xi32>
    %and3A_49 = arith.constant 65535 : i32
    %and3A_50 = vector.broadcast %and3A_49 : i32 to vector<256x4096xi32>
    %and3A_51 = arith.andi %shift_right_logical3A_48, %and3A_50 : vector<256x4096xi32>
    %shift_right_logical3A_52 = arith.constant 10 : i32
    %shift_right_logical3A_53 = vector.broadcast %shift_right_logical3A_52 : i32 to vector<256x4096xi32>
    %shift_right_logical3A_54 = arith.shrui %and3A_51, %shift_right_logical3A_53 : vector<256x4096xi32>
    %and3A_55 = arith.constant 31 : i32
    %and3A_56 = vector.broadcast %and3A_55 : i32 to vector<256x4096xi32>
    %and3A_57 = arith.andi %shift_right_logical3A_54, %and3A_56 : vector<256x4096xi32>
    %shift_right_logical3A_58 = arith.constant 15 : i32
    %shift_right_logical3A_59 = vector.broadcast %shift_right_logical3A_58 : i32 to vector<256x4096xi32>
    %shift_right_logical3A_60 = arith.shrui %and3A_51, %shift_right_logical3A_59 : vector<256x4096xi32>
    %and3A_61 = arith.constant 1 : i32
    %and3A_62 = vector.broadcast %and3A_61 : i32 to vector<256x4096xi32>
    %and3A_63 = arith.andi %shift_right_logical3A_60, %and3A_62 : vector<256x4096xi32>
    %shift_left3A_64 = arith.constant 31 : i32
    %shift_left3A_65 = vector.broadcast %shift_left3A_64 : i32 to vector<256x4096xi32>
    %shift_left3A_66 = arith.shli %and3A_63, %shift_left3A_65 : vector<256x4096xi32>
    %add3A_67 = arith.constant 112 : i32
    %add3A_68 = vector.broadcast %add3A_67 : i32 to vector<256x4096xi32>
    %add3A_69 = arith.addi %and3A_57, %add3A_68 : vector<256x4096xi32>
    %shift_left3A_70 = arith.constant 23 : i32
    %shift_left3A_71 = vector.broadcast %shift_left3A_70 : i32 to vector<256x4096xi32>
    %shift_left3A_72 = arith.shli %add3A_69, %shift_left3A_71 : vector<256x4096xi32>
    %or3A_73 = arith.ori %shift_left3A_66, %shift_left3A_72 : vector<256x4096xi32>
    %and3A_74 = arith.constant 1023 : i32
    %and3A_75 = vector.broadcast %and3A_74 : i32 to vector<256x4096xi32>
    %and3A_76 = arith.andi %and3A_51, %and3A_75 : vector<256x4096xi32>
    %shift_left3A_77 = arith.constant 13 : i32
    %shift_left3A_78 = vector.broadcast %shift_left3A_77 : i32 to vector<256x4096xi32>
    %shift_left3A_79 = arith.shli %and3A_76, %shift_left3A_78 : vector<256x4096xi32>
    %or3A_80 = arith.ori %or3A_73, %shift_left3A_79 : vector<256x4096xi32>
    %eq3A_81 = arith.constant 0 : i32
    %eq3A_82 = vector.broadcast %eq3A_81 : i32 to vector<256x4096xi32>
    %eq3A_83 = arith.cmpi eq, %and3A_57, %eq3A_82 : vector<256x4096xi32>
    %bitcast_convert_type3A_84 = tpu.bitcast %or3A_80 : vector<256x4096xi32> -> vector<256x4096xf32>
    %jit3A_85 = arith.constant 0.000000e+00 : f32
    %broadcast_in_dim3A_86 = vector.broadcast %jit3A_85 : f32 to vector<256x4096xf32>
    %select_n3A_87 = arith.select %eq3A_83, %broadcast_in_dim3A_86, %bitcast_convert_type3A_84 : vector<256x4096xi1>, vector<256x4096xf32>
    %reduce_max3A_88 = arith.constant dense<0xFF800000> : vector<256xf32>
    %reduce_max3A_89 = vector.multi_reduction <maximumf>, %select_n3A_87, %reduce_max3A_88 [1] : vector<256x4096xf32> to vector<256xf32>
    %broadcast_in_dim3A_90 = vector.shape_cast %reduce_max3A_89 : vector<256xf32> to vector<256x1xf32>
    %sub3A_91 = vector.broadcast %broadcast_in_dim3A_90 : vector<256x1xf32> to vector<256x4096xf32>
    %sub3A_92 = arith.subf %select_n3A_87, %sub3A_91 : vector<256x4096xf32>
    %exp3A_93 = math.exp %sub3A_92 : vector<256x4096xf32>
    %reduce_sum3A_94 = arith.constant dense<0.000000e+00> : vector<256xf32>
    %reduce_sum3A_95 = vector.multi_reduction <add>, %exp3A_93, %reduce_sum3A_94 [1] : vector<256x4096xf32> to vector<256xf32>
    %broadcast_in_dim3A_96 = vector.shape_cast %reduce_sum3A_95 : vector<256xf32> to vector<256x1xf32>
    %get3A_97 = arith.constant 0 : index
    %get3A_98 = arith.constant 128 : index
    %get3A_99 = vector.load %arg2[%get3A_97, %get3A_98] : memref<4096x256xf32, #tpu.memory_space<vmem>>, vector<4096x128xf32>
    %dot_general3A_100 = arith.constant dense<0.000000e+00> : vector<256x128xf32>
    %dot_general3A_101 = tpu.matmul %exp3A_93, %get3A_99, %dot_general3A_100 {dimension_numbers = #tpu.dot_dimension_numbers<[1], [0], [0], [1], [0, 0, 1, 1], [], []>, transpose_lhs_hint = false} : vector<256x4096xf32>, vector<4096x128xf32>, vector<256x128xf32> -> vector<256x128xf32>
    %div3A_102 = vector.broadcast %broadcast_in_dim3A_96 : vector<256x1xf32> to vector<256x128xf32>
    %div3A_103 = arith.divf %dot_general3A_101, %div3A_102 : vector<256x128xf32>
    %swap3A_104 = arith.constant 0 : index
    %swap3A_105 = arith.constant 128 : index
    %swap3A_106 = vector.load %arg3[%swap3A_104, %swap3A_105] : memref<256x256xf32, #tpu.memory_space<vmem>>, vector<256x128xf32>
    tpu.vector_store %arg3[%swap3A_104, %swap3A_105], %div3A_103 {strides = array<i32>} : memref<256x256xf32, #tpu.memory_space<vmem>>, vector<256x128xf32>,
    return
  }
  func.func @transform_0(%arg0: i32) -> (i32, i32) {
    %c0_i32 = arith.constant 0 : i32
    %c0_i32_0 = arith.constant 0 : i32
    return %arg0, %c0_i32 : i32, i32
  }
  func.func @transform_1(%arg0: i32) -> (i32, i32) {
    %c0_i32 = arith.constant 0 : i32
    %c0_i32_0 = arith.constant 0 : i32
    %c0_i32_1 = arith.constant 0 : i32
    return %c0_i32, %c0_i32_0 : i32, i32
  }
  func.func @transform_2(%arg0: i32) -> (i32, i32) {
    %c0_i32 = arith.constant 0 : i32
    %c0_i32_0 = arith.constant 0 : i32
    return %arg0, %c0_i32 : i32, i32
  }
}

</mosaic_0001>

<sc_bundles>
// kernel: kernel.5.cloned.1.call-start
scs
__scs_entry_jumppad:
0x0: {  	(pc) =	sbr.rel $0x88, $3  }
0x1: {  	(tag) =	ssettag $0x0;
	lr =	simm.s32 $0x1  }
0x2: {  	[smem:$0x3F9C] =	sst lr;
	_ =	strace $0xD0000000  }
0x3: {  	_ = 	snop  }
0x4: {  	_ = 	snop  }
0x5: {  	_ = 	snop  }
0x6: {  	_ = 	snop  }
0x7: {  	_ = 	snop  }
__scs_overlays_trampoline_lowered:
0x8: {  	[smem:$0x3FAB] =	sst s0  }
0x9: {  	[smem:$0x3FAC] =	sst s1  }
0xa: {  	[smem:$0x3FAD] =	sst s2  }
0xb: {  	[smem:$0x3FAE] =	sst s3  }
0xc: {  	[smem:$0x3FAF] =	sst s4  }
0xd: {  	[smem:$0x3FB0] =	sst s5  }
0xe: {  	[smem:$0x3FB1] =	sst s6  }
0xf: {  	[smem:$0x3FB2] =	sst s7  }
0x10: {  	[smem:$0x3FB3] =	sst s8  }
0x11: {  	[smem:$0x3FB4] =	sst s9;
	s0 =	simm.s32 @!p0 $0x0  }
0x12: {  	s1 =	sld [smem:$0x3F9A];
	s0 =	simm.s32 @p0 $0x1  }
0x13: {  	[smem:$0x3FB5] =	sst s0;
	s0 =	simm.s32 @!p1 $0x0  }
0x14: {  	s2 =	sld [smem:$0x3F99];
	s0 =	simm.s32 @p1 $0x1  }
0x15: {  	[smem:$0x3FB6] =	sst s0;
	s0 =	simm.s32 @!p2 $0x0  }
0x16: {  	s3 =	sld [smem:$0x3FDB];
	s0 =	simm.s32 @p2 $0x1  }
0x17: {  	s4 =	simm.s32 $0x1BF5;
	[smem:$0x3FB8] =	sst s0  }
0x18: {  	s0 =	sld [smem:$0x3F9B];
	_ =	swait.ge [sflag:s4], $0x0  }
0x19: {  	s7 =	sld [smem:$0x3F9C]  }
0x1a: {  	s8 =	sadd.s32 $0xFFFFE003, lr  }
0x1b: {  	s9 =	sadd.s32 $0xFFFFFEF7, lr;
	s5 =	simm.s32 $0xFFFFFFFF;
	p2 =	slt.u32 s8, $0xFFFFF086  }
0x1c: {  	p1 =	slt.u32 s9, $0xF7A;
	s5 =	simm.s32 @!p2 $0x0  }
0x1d: {  	s5 =	simm.s32 @p1 $0x1;
	p0 =	seq.s32 s7, s2  }
0x1e: {  	s7 =	smul.u32 @!p0 $0xF7A, s2;
	p2 =	seq.s32 @!p0 s5, $0x0  }
0x1f: {  	s9 =	smul.u32 $0xF7A, s1;
	s8 =	simm.s32 @!p0 $0x1BF5;
	p2 =	por !p2, p0  }
0x20: {  	[sflag:s8] =	ssyncset.s32 @!p0 $0xFFFFF086;
	s6 =	sadd.s32 @!p0 s3, s7;
	s7 =	simm.s32 @!p0 $0x108  }
0x21: {  	s3 =	sadd.s32 s3, s9;
	s6 =	sadd.s32 @!p0 $0x88, s6;
	s7 =	simm.s32 @p2 $0x1082  }
0x22: {  	[simem:s7], [sflag:s8] =	dma.local @!p0 [hbm:s6], $0xF7A  }
0x23: {  	s9 =	sor.u32 $0xD0000000, s2;
	s6 =	simm.s32 $0x108;
	_ =	swait.ge @!p0 [sflag:s8], $0x0  }
0x24: {  	s3 =	sadd.s32 $0x88, s3;
	s6 =	simm.s32 @!p1 $0x1082;
	[sflag:s4] =	ssyncset.s32 $0xFFFFF086  }
0x25: {  	[simem:s6], [sflag:s4] =	dma.local [hbm:s3], $0xF7A  }
0x26: {  	[smem:$0x3F9C] =	sst s1;
	(tag) =	ssettag s2;
	_ =	strace s9  }
0x27: {  	s1 =	sld [smem:$0x3FAC]  }
0x28: {  	s2 =	sld [smem:$0x3FAD]  }
0x29: {  	s4 =	sld [smem:$0x3FAF]  }
0x2a: {  	p0 =	seq.s32 s5, $0x0;
	s5 =	sld [smem:$0x3FB0]  }
0x2b: {  	s6 =	sld [smem:$0x3FB1]  }
0x2c: {  	s7 =	sld [smem:$0x3FB2]  }
0x2d: {  	s3 =	simm.s32 $0x108;
	s8 =	sld [smem:$0x3FB3]  }
0x2e: {  	s3 =	simm.s32 @!p0 $0x1082;
	s9 =	sld [smem:$0x3FB4]  }
0x2f: {  	lr =	sadd.s32 s0, s3;
	s0 =	sld [smem:$0x3FAB]  }
0x30: {  	s3 =	sld [smem:$0x3FAE]  }
0x31: {  	[smem:$0x3FB7] =	sst s10  }
0x32: {  	s10 =	sld [smem:$0x3FB5];
	_ =	sdelay $0x3  }
0x33: {  	p0 =	seq.s32 s10, $0x1;
	s10 =	sld [smem:$0x3FB7];
	_ =	sdelay $0x3  }
0x34: {  	[smem:$0x3FB7] =	sst s10  }
0x35: {  	s10 =	sld [smem:$0x3FB6];
	_ =	sdelay $0x3  }
0x36: {  	p1 =	seq.s32 s10, $0x1;
	s10 =	sld [smem:$0x3FB7];
	_ =	sdelay $0x3  }
0x37: {  	[smem:$0x3FB7] =	sst s10  }
0x38: {  	s10 =	sld [smem:$0x3FB8]  }
0x39: {  	_ = 	snop;
	(pc) =	sbr.ind lr, $3  }
0x3a: {  	_ = 	snop  }
0x3b: {  	_ = 	snop  }
0x3c: {  	p2 =	seq.s32 s10, $0x1;
	s10 =	sld [smem:$0x3FB7]  }
0x3d: {  	_ =	shalt  }
0x3e: {  	_ =	shalt  }
0x3f: {  	_ =	shalt  }
0x40: {  	_ =	shalt  }
0x41: {  	_ =	shalt  }
0x42: {  	_ =	shalt  }
0x43: {  	_ =	shalt  }
0x44: {  	_ =	shalt  }
0x45: {  	_ =	shalt  }
0x46: {  	_ =	shalt  }
0x47: {  	_ =	shalt  }
0x48: {  	_ =	shalt  }
0x49: {  	_ =	shalt  }
0x4a: {  	_ =	shalt  }
0x4b: {  	_ =	shalt  }
0x4c: {  	_ =	shalt  }
0x4d: {  	_ =	shalt  }
0x4e: {  	_ =	shalt  }
0x4f: {  	_ =	shalt  }
0x50: {  	_ =	shalt  }
0x51: {  	_ =	shalt  }
0x52: {  	_ =	shalt  }
0x53: {  	_ =	shalt  }
0x54: {  	_ =	shalt  }
0x55: {  	_ =	shalt  }
0x56: {  	_ =	shalt  }
0x57: {  	_ =	shalt  }
0x58: {  	_ =	shalt  }
0x59: {  	_ =	shalt  }
0x5a: {  	_ =	shalt  }
0x5b: {  	_ =	shalt  }
0x5c: {  	_ =	shalt  }
0x5d: {  	_ =	shalt  }
0x5e: {  	_ =	shalt  }
0x5f: {  	_ =	shalt  }
0x60: {  	_ =	shalt  }
0x61: {  	_ =	shalt  }
0x62: {  	_ =	shalt  }
0x63: {  	_ =	shalt  }
0x64: {  	_ =	shalt  }
0x65: {  	_ =	shalt  }
0x66: {  	_ =	shalt  }
0x67: {  	_ =	shalt  }
0x68: {  	_ =	shalt  }
0x69: {  	_ =	shalt  }
0x6a: {  	_ =	shalt  }
0x6b: {  	_ =	shalt  }
0x6c: {  	_ =	shalt  }
0x6d: {  	_ =	shalt  }
0x6e: {  	_ =	shalt  }
0x6f: {  	_ =	shalt  }
0x70: {  	_ =	shalt  }
0x71: {  	_ =	shalt  }
0x72: {  	_ =	shalt  }
0x73: {  	_ =	shalt  }
0x74: {  	_ =	shalt  }
0x75: {  	_ =	shalt  }
0x76: {  	_ =	shalt  }
0x77: {  	_ =	shalt  }
0x78: {  	_ =	shalt  }
0x79: {  	_ =	shalt  }
0x7a: {  	_ =	shalt  }
0x7b: {  	_ =	shalt  }
0x7c: {  	_ =	shalt  }
0x7d: {  	_ =	shalt  }
0x7e: {  	_ =	shalt  }
0x7f: {  	_ =	shalt  }
0x80: {  	_ =	shalt  }
0x81: {  	_ =	shalt  }
0x82: {  	_ =	shalt  }
0x83: {  	_ =	shalt  }
0x84: {  	_ =	shalt  }
0x85: {  	_ =	shalt  }
0x86: {  	_ =	shalt  }
0x87: {  	_ =	shalt  }
.Lfunc_end0:
.L_simem_size_0:
called_computation_lowered:
.L_overlay_start_0:
0x88: {  	s2 =	sld [smem:$0x3FD9]  }
0x89: {  	s3 =	sld [smem:$0x3FFE];
	_ =	sdelay $0x1  }
0x8a: {  	s1 =	srdreg.scid  }
0x8b: {  	s0 =	sand.u32 $0x1, s1  }
0x8c: {  	s17 =	sshll.u32 s0, $0xA;
	s2 =	sadd.s32 s3, s2  }
0x8d: {  	s2 =	sadd.s32 s2, s17  }
0x8e: {  	[smem:$0x3FC3] =	sst s2  }
0x8f: {  	_ = 	snop  }
0x90: {  	s2 =	sld [smem:$0x3FC8]  }
0x91: {  	s18 =	sld [smem:$0x3FD0];
	(tm) =	ssettm $0x1  }
0x92: {  	s4 =	sld [smem:$0x3FFB];
	_ =	sdelay $0x3  }
0x93: {  	_ =	strace s4  }
0x94: {  	s4 =	sld [smem:$0x3FFC];
	_ =	sdelay $0x3  }
0x95: {  	_ =	strace s4  }
0x96: {  	s4 =	sld [smem:$0x3FFD];
	_ =	sdelay $0x3  }
0x97: {  	_ =	strace s4  }
0x98: {  	_ =	strace $0x8FFFFFFF  }
0x99: {  	s19 =	sld [smem:$0x3FDB];
	_ =	sdelay $0x1  }
0x9a: {  	s5 =	simm.s32 $_scs_section_size  }
0x9b: {  	s6 =	simm.s32 $_size__tile_overlayer_lowered;
	s7 =	simm.s32 $_tile_overlayer_lowered  }
0x9c: {  	s22 =	simm.s32 $0x1BFF;
	s21 =	sshll.u32 s7, $0x1;
	s4 =	sadd.s32 s5, s19  }
0x9d: {  	s8 =	simm.s32 $0x0;
	s20 =	sshll.u32 s6, $0x1;
	s6 =	sadd.s32 s21, s4  }
0x9e: {  	[timem:s8], [sflag:s22] =	dma.local [hbm:s6], s20  }
0x9f: {  	_ =	swait.ge [sflag:s22], s20  }
0xa0: {  	s5 =	ssub.s32 $0x0, s20;
	[sflag:s22] =	ssyncset.done $0x0  }
0xa1: {  	[sflag:s22] =	ssyncadd.s32 s5;
	_ =	sdelay $0x1  }
0xa2: {  	s23 =	simm.s32 $0x1B8B  }
0xa3: {  	_ =	swait.ge [sflag:s23], $0x1  }
0xa4: {  	[sflag:s23] =	ssyncset.done $0x0  }
0xa5: {  	s25 =	simm.s32 $0x1B8E;
	s24 =	sld [smem:$0x3FFE];
	[sflag:s23] =	ssyncadd.s32 $0xFFFFFFFF  }
0xa6: {  	s26 =	simm.s32 $execute0_lowered;
	[smem:$0x3FD2] =	sst s25  }
0xa7: {  	s6 =	sshll.u32 s26, $0x1;
	_ =	strace $0x80000046;
	[dreg:$0x1] =	wrdreg $0xFFFFFFFF  }
0xa8: {  	s28 =	simm.s32 $_size_execute0_lowered;
	s4 =	sadd.s32 s4, s6;
	[dreg:$0x0] =	wrdreg $0x0  }
0xa9: {  	s6 =	sshll.u32 s28, $0x1;
	[dreg:$0x2] =	wrdreg s4  }
0xaa: {  	[dreg:$0x3] =	wrdreg s6  }
0xab: {  	[dreg:$0x4] =	wrdreg $0xC0  }
0xac: {  	_ =	task [dreg:s8], $0x5FFFF  }
0xad: {  	[dreg:$0x1] =	wrdreg $0xFFFFFFFF  }
0xae: {  	[dreg:$0x0] =	wrdreg $0x60  }
0xaf: {  	[dreg:$0x2] =	wrdreg s2  }
0xb0: {  	[dreg:$0x3] =	wrdreg s18  }
0xb1: {  	[dreg:$0x4] =	wrdreg s24  }
0xb2: {  	[dreg:$0x5] =	wrdreg $0x9  }
0xb3: {  	_ =	task.clear_ibuf [dreg:s8], $0x6FFFF;
	_ =	strace $0x90000046  }
0xb4: {  	s29 =	simm.s32 $0x9;
	_ =	strace $0x80000048  }
0xb5: {  	_ =	swait.ge [sflag:s29], $0x1  }
0xb6: {  	[sflag:s29] =	ssyncadd.s32 $0xFFFFFFFF  }
0xb7: {  	_ =	strace $0x90000048  }
0xb8: {  	_ =	sfence  }
0xb9: {  	s30 =	sld [smem:$0x0];
	_ =	sdelay $0x2  }
0xba: {  	s31 =	sshll.u32 s1, $0xD;
	s1 =	sshrl.u32 s1, $0x2  }
0xbb: {  	s3 =	sand.u32 $0x4000, s31;
	s1 =	sadd.s32 s1, s30  }
0xbc: {  	s0 =	sor.u32 s3, s0;
	s1 =	sshll.u32 s1, $0x11  }
0xbd: {  	s0 =	sor.u32 s1, s0  }
0xbe: {  	s0 =	sadd.s32 $0x8F2B, s0  }
0xbf: {  	[sflag:s0] =	ssyncadd.remote.s32 $0x1  }
0xc0: {  	_ =	sfence.sel $0xFFFF  }
0xc1: {  	[dreg:$0x0] =	wrdreg $0xFFFFFFFF;
	(pc) =	sbr.abs _section_cstart, $3  }
0xc2: {  	[dreg:$0x1] =	wrdreg $0xFFFFFFFF  }
0xc3: {  	_ =	task.clear_ibuf [dreg:s8], $0x2FFFF;
	_ =	strace $0x9FFFFFFF  }
0xc4: {  	(tm) =	ssettm $0x7FFFFFFF  }
0xc5: {  	_ =	shalt  }
tec
execute0_lowered:
.L_overlay_start_1:
0x0: {  	(tag) =	ssettag $0x1  }
0x1: {  	s0 =	rddreg [dreg:$0x0]  }
0x2: {  	s2 =	rddreg [dreg:$0x1]  }
0x3: {  	s3 =	rddreg [dreg:$0x2];
	s1 =	simm.s32 $0x0  }
0x4: {  	s4 =	srdreg.scid;
	s10 =	stileid.u32;
	s30 =	simm.s32 $0x1  }
0x5: {  	s31 =	simm.s32 $0x80;
	[smem:$0x7FF] =	sst s1;
	s4 =	sand.u32 $0x1, s4  }
0x6: {  	s7 =	sadd.s32 $0x200, s3;
	s8 =	smul.u32 $0x1080, s10;
	s11 =	sadd.s32 $0x1200, s3  }
0x7: {  	s24 =	sshll.u32 s10, $0x10;
	s25 =	sadd.s32 $0x210, s3;
	p1 =	sne.s32 s10, $0xF  }
0x8: {  	p2 =	seq.s32 s10, $0xF;
	_ =	strace $0x80000047;
	[dreg:$0x4] =	wrdreg s7  }
0x9: {  	s10 =	simm.s32 $0x0;
	s5 =	ssub.s32 $0x2, s4;
	[dreg:$0x5] =	wrdreg s11  }
0xa: {  	s6 =	smul.u32 $0xF800, s4;
	s9 =	sshll.u32 s4, $0x14;
	[dreg:$0x6] =	wrdreg s25  }
0xb: {  	p0 =	seq.s32 s4, $0x0;
	p6 =	seq.s32 s4, $0x1;
	s14 =	sshll.u32 s4, $0xB  }
0xc: {  	s4 =	simm.s32 $0x100;
	s23 =	sshrl.u32 s5, $0x1;
	p0 =	por p0, p1  }
0xd: {  	p1 =	por !p2, !p6;
	s15 =	sadd.s32 $0x800, s14;
	s7 =	ssub.s32 s5, s23  }
0xe: {  	s5 =	sadd.s32 s11, s24;
	s6 =	sadd.s32 s8, s6;
	s11 =	sadd.s32 $0x220, s3  }
0xf: {  	s3 =	sadd.s32 $0x230, s3;
	p1 =	por !p1, !p1;
	s8 =	simm.s32 $0xB000  }
0x10: {  	s5 =	sadd.s32 s9, s5;
	s26 =	sshrl.u32 s6, $0x2;
	[dreg:$0x7] =	wrdreg s11  }
0x11: {  	[dreg:$0x8] =	wrdreg s3;
	s13 =	sshrl.u32 s6, $0x3;
	s24 =	smax.u32 s7, $0x1  }
0x12: {  	s6 =	simm.s32 $0x9000;
	s7 =	simm.s32 $0xA000;
	s12 =	sadd.s32 s0, s26  }
0x13: {  	s11 =	sadd.s32 s2, s13;
	[dreg:$0xc] =	wrdreg s24;
	s25 =	sadd.s32 $0x1000, s5  }
0x14: {  	s26 =	sadd.s32 $0x2000, s5;
	s16 =	sadd.s32 $0x3000, s5;
	s17 =	sadd.s32 $0x4000, s5  }
0x15: {  	s18 =	sadd.s32 $0x5000, s5;
	s19 =	sadd.s32 $0x6000, s5;
	s20 =	sadd.s32 $0x7000, s5  }
0x16: {  	s21 =	sadd.s32 $0x8000, s5;
	s22 =	sadd.s32 $0x9000, s5;
	s23 =	sadd.s32 $0xA000, s5  }
0x17: {  	s24 =	sadd.s32 $0xB000, s5;
	s28 =	sadd.s32 $0xE000, s5;
	[dreg:$0x9] =	wrdreg s12  }
0x18: {  	s29 =	sadd.s32 $0xF000, s5;
	s2 =	simm.s32 $0x8000;
	[dreg:$0xd] =	wrdreg s25  }
0x19: {  	s3 =	sadd.s32 $0x10, s12;
	s0 =	sadd.s32 $0x210, s11;
	[dreg:$0xe] =	wrdreg s26  }
0x1a: {  	s25 =	sadd.s32 $0xC000, s5;
	s26 =	sadd.s32 $0xD000, s5;
	[dreg:$0xa] =	wrdreg s3  }
0x1b: {  	v2 =	vimm.s32 $0xFB53FB53;
	v0 =	vmov s14;
	v1 =	vmov s15;
	[dreg:$0xb] =	wrdreg s0;
	s0 =	simm.s32 $0x400;
	s3 =	simm.s32 $0x2  }
.LBB2_1:
0x1c: {  	s9 =	simm.s32 $0x40;
	s12 =	simm.s32 $0x0  }
.LBB2_2:
0x1d: {  	p2 =	sne.s32 s9, $0x1FFC0;
	[tilespmem:s12+$0x0] =	vst v2;
	s12 =	smov.u32 s9;
	s9 =	sadd.s32 $0x40, s9  }
.Ltmp0:
0x1e: {  	(pc) =	sbr.rel @p2 .LBB2_2-.Ltmp0, $2  }
0x1f: {  	_ =	sdelay $0x2  }
0x20: {  	s12 =	sshra.s32 s12, $0x2  }
0x21: {  	[tilespmem:s12+$0x0] =	vst v2  }
0x22: {  	[hbm4b:s5+s1] =	stream.linear.scatter [tilespmem:s1], [sflag:$0x1], $0x8000, $0x38;
	[tilespmem:$0x11300] =	vst v63  }
0x23: {  	s9 =	rddreg [dreg:$0xd]  }
0x24: {  	[hbm4b:s9+s1] =	stream.linear.scatter [tilespmem:s1], [sflag:$0x1], $0x8000, $0x38;
	[tilespmem:$0x11300] =	vst v63  }
0x25: {  	s13 =	rddreg [dreg:$0xe]  }
0x26: {  	[hbm4b:s13+s1] =	stream.linear.scatter [tilespmem:s1], [sflag:$0x1], $0x8000, $0x38;
	[tilespmem:$0x11300] =	vst v63  }
0x27: {  	_ = 	snop  }
0x28: {  	[hbm4b:s16+s1] =	stream.linear.scatter [tilespmem:s1], [sflag:$0x1], $0x8000, $0x38;
	[tilespmem:$0x11300] =	vst v63  }
0x29: {  	_ = 	snop  }
0x2a: {  	[hbm4b:s17+s1] =	stream.linear.scatter [tilespmem:s1], [sflag:$0x1], $0x8000, $0x38;
	[tilespmem:$0x11300] =	vst v63  }
0x2b: {  	_ = 	snop  }
0x2c: {  	[hbm4b:s18+s1] =	stream.linear.scatter [tilespmem:s1], [sflag:$0x1], $0x8000, $0x38;
	[tilespmem:$0x11300] =	vst v63  }
0x2d: {  	_ = 	snop  }
0x2e: {  	[hbm4b:s19+s1] =	stream.linear.scatter [tilespmem:s1], [sflag:$0x1], $0x8000, $0x38;
	[tilespmem:$0x11300] =	vst v63  }
0x2f: {  	_ = 	snop  }
0x30: {  	[hbm4b:s20+s1] =	stream.linear.scatter [tilespmem:s1], [sflag:$0x1], $0x8000, $0x38;
	[tilespmem:$0x11300] =	vst v63  }
0x31: {  	_ = 	snop  }
0x32: {  	[hbm4b:s21+s1] =	stream.linear.scatter [tilespmem:s1], [sflag:$0x1], $0x8000, $0x38;
	[tilespmem:$0x11300] =	vst v63  }
0x33: {  	_ = 	snop  }
0x34: {  	[hbm4b:s22+s1] =	stream.linear.scatter [tilespmem:s1], [sflag:$0x1], $0x8000, $0x38;
	[tilespmem:$0x11300] =	vst v63  }
0x35: {  	_ = 	snop  }
0x36: {  	[hbm4b:s23+s1] =	stream.linear.scatter [tilespmem:s1], [sflag:$0x1], $0x8000, $0x38;
	[tilespmem:$0x11300] =	vst v63  }
0x37: {  	_ = 	snop  }
0x38: {  	[hbm4b:s24+s1] =	stream.linear.scatter [tilespmem:s1], [sflag:$0x1], $0x8000, $0x38;
	[tilespmem:$0x11300] =	vst v63  }
0x39: {  	_ = 	snop  }
0x3a: {  	[hbm4b:s25+s1] =	stream.linear.scatter [tilespmem:s1], [sflag:$0x1], $0x8000, $0x38;
	[tilespmem:$0x11300] =	vst v63  }
0x3b: {  	_ = 	snop  }
0x3c: {  	[hbm4b:s26+s1] =	stream.linear.scatter [tilespmem:s1], [sflag:$0x1], $0x8000, $0x38;
	[tilespmem:$0x11300] =	vst v63  }
0x3d: {  	_ = 	snop  }
0x3e: {  	[hbm4b:s28+s1] =	stream.linear.scatter [tilespmem:s1], [sflag:$0x1], $0x8000, $0x38;
	[tilespmem:$0x11300] =	vst v63  }
0x3f: {  	_ = 	snop  }
0x40: {  	[hbm4b:s29+s1] =	stream.linear.scatter [tilespmem:s1], [sflag:$0x1], $0x8000, $0x38;
	[tilespmem:$0x11300] =	vst v63  }
0x41: {  	_ =	swait.ge [sflag:s30], $0x8000  }
0x42: {  	[sflag:s30] =	ssyncset.done $0x0  }
0x43: {  	[sflag:s30] =	ssyncadd.s32 $0xFFFF8000  }
0x44: {  	_ =	swait.ge [sflag:s30], $0x8000  }
0x45: {  	[sflag:s30] =	ssyncset.done $0x0  }
0x46: {  	[sflag:s30] =	ssyncadd.s32 $0xFFFF8000  }
0x47: {  	_ =	swait.ge [sflag:s30], $0x8000  }
0x48: {  	[sflag:s30] =	ssyncset.done $0x0  }
0x49: {  	[sflag:s30] =	ssyncadd.s32 $0xFFFF8000  }
0x4a: {  	_ =	swait.ge [sflag:s30], $0x8000  }
0x4b: {  	[sflag:s30] =	ssyncset.done $0x0  }
0x4c: {  	[sflag:s30] =	ssyncadd.s32 $0xFFFF8000  }
0x4d: {  	_ =	swait.ge [sflag:s30], $0x8000  }
0x4e: {  	[sflag:s30] =	ssyncset.done $0x0  }
0x4f: {  	[sflag:s30] =	ssyncadd.s32 $0xFFFF8000  }
0x50: {  	_ =	swait.ge [sflag:s30], $0x8000  }
0x51: {  	[sflag:s30] =	ssyncset.done $0x0  }
0x52: {  	[sflag:s30] =	ssyncadd.s32 $0xFFFF8000  }
0x53: {  	_ =	swait.ge [sflag:s30], $0x8000  }
0x54: {  	[sflag:s30] =	ssyncset.done $0x0  }
0x55: {  	[sflag:s30] =	ssyncadd.s32 $0xFFFF8000  }
0x56: {  	_ =	swait.ge [sflag:s30], $0x8000  }
0x57: {  	[sflag:s30] =	ssyncset.done $0x0  }
0x58: {  	[sflag:s30] =	ssyncadd.s32 $0xFFFF8000  }
0x59: {  	_ =	swait.ge [sflag:s30], $0x8000  }
0x5a: {  	[sflag:s30] =	ssyncset.done $0x0  }
0x5b: {  	[sflag:s30] =	ssyncadd.s32 $0xFFFF8000  }
0x5c: {  	_ =	swait.ge [sflag:s30], $0x8000  }
0x5d: {  	[sflag:s30] =	ssyncset.done $0x0  }
0x5e: {  	[sflag:s30] =	ssyncadd.s32 $0xFFFF8000  }
0x5f: {  	_ =	swait.ge [sflag:s30], $0x8000  }
0x60: {  	[sflag:s30] =	ssyncset.done $0x0  }
0x61: {  	[sflag:s30] =	ssyncadd.s32 $0xFFFF8000  }
0x62: {  	_ =	swait.ge [sflag:s30], $0x8000  }
0x63: {  	[sflag:s30] =	ssyncset.done $0x0  }
0x64: {  	[sflag:s30] =	ssyncadd.s32 $0xFFFF8000  }
0x65: {  	_ =	swait.ge [sflag:s30], $0x8000  }
0x66: {  	[sflag:s30] =	ssyncset.done $0x0  }
0x67: {  	[sflag:s30] =	ssyncadd.s32 $0xFFFF8000  }
0x68: {  	_ =	swait.ge [sflag:s30], $0x8000  }
0x69: {  	[sflag:s30] =	ssyncset.done $0x0  }
0x6a: {  	[sflag:s30] =	ssyncadd.s32 $0xFFFF8000  }
0x6b: {  	_ =	swait.ge [sflag:s30], $0x8000  }
0x6c: {  	[sflag:s30] =	ssyncset.done $0x0  }
0x6d: {  	[sflag:s30] =	ssyncadd.s32 $0xFFFF8000  }
0x6e: {  	_ =	swait.ge [sflag:s30], $0x8000  }
0x6f: {  	[sflag:s30] =	ssyncset.done $0x0  }
0x70: {  	[sflag:s30] =	ssyncadd.s32 $0xFFFF8000  }
0x71: {  	[bflag:$0x0] =	sbarrier.arrive $0xFFFF  }
0x72: {  	s14 =	rddreg [dreg:$0x4]  }
0x73: {  	[tilespmem:s2], [sflag:$0x2] =	stream.strided.gather [hbm4b:s14+s31], $0x1000, s0, s31, $0x38;
	[tilespmem:$0x11300] =	vst v63  }
0x74: {  	_ =	swait.ge [sflag:s3], $0x1000  }
0x75: {  	[sflag:s3] =	ssyncset.done $0x0  }
0x76: {  	s15 =	rddreg [dreg:$0x6];
	[sflag:s3] =	ssyncadd.s32 $0xFFFFF000  }
0x77: {  	[tilespmem:s6], [sflag:$0x2] =	stream.strided.gather [hbm4b:s15+s31], $0x1000, s0, s31, $0x38;
	[tilespmem:$0x11300] =	vst v63  }
0x78: {  	_ =	swait.ge [sflag:s3], $0x1000  }
0x79: {  	[sflag:s3] =	ssyncset.done $0x0  }
0x7a: {  	s12 =	rddreg [dreg:$0x7];
	[sflag:s3] =	ssyncadd.s32 $0xFFFFF000  }
0x7b: {  	[tilespmem:s7], [sflag:$0x2] =	stream.strided.gather [hbm4b:s12+s31], $0x1000, s0, s31, $0x38;
	[tilespmem:$0x11300] =	vst v63  }
0x7c: {  	_ =	swait.ge [sflag:s3], $0x1000  }
0x7d: {  	[sflag:s3] =	ssyncset.done $0x0  }
0x7e: {  	s13 =	rddreg [dreg:$0x8];
	[sflag:s3] =	ssyncadd.s32 $0xFFFFF000  }
0x7f: {  	[tilespmem:s8], [sflag:$0x2] =	stream.strided.gather [hbm4b:s13+s31], $0x1000, s0, s31, $0x38;
	[tilespmem:$0x11300] =	vst v63  }
0x80: {  	_ =	swait.ge [sflag:s3], $0x1000  }
0x81: {  	[sflag:s3] =	ssyncset.done $0x0  }
0x82: {  	s15 =	simm.s32 $0xC000;
	s14 =	rddreg [dreg:$0x9];
	[sflag:s3] =	ssyncadd.s32 $0xFFFFF000  }
0x83: {  	[tilespmem:s15], [sflag:$0x2] =	stream.strided.gather [hbm4b:s14+s31], $0x1080, s4, s31, $0x38;
	[tilespmem:$0x11300] =	vst v63  }
0x84: {  	_ =	swait.ge [sflag:s3], $0x1080  }
0x85: {  	[sflag:s3] =	ssyncset.done $0x0  }
0x86: {  	s14 =	simm.s32 $0xD080;
	s13 =	rddreg [dreg:$0xa];
	[sflag:s3] =	ssyncadd.s32 $0xFFFFEF80  }
0x87: {  	[tilespmem:s14], [sflag:$0x2] =	stream.strided.gather [hbm4b:s13+s31], $0x1080, s4, s31, $0x38;
	[tilespmem:$0x11300] =	vst v63  }
0x88: {  	_ =	swait.ge [sflag:s3], $0x1080  }
0x89: {  	[sflag:s3] =	ssyncset.done $0x0  }
0x8a: {  	s15 =	simm.s32 $0xE100;
	[sflag:s3] =	ssyncadd.s32 $0xFFFFEF80  }
0x8b: {  	[tilespmem:s15], [sflag:$0x2] =	stream.linear.gather [hbm4b:s11+s1], $0x1080, $0x38;
	[tilespmem:$0x11300] =	vst v63  }
0x8c: {  	_ =	swait.ge [sflag:s3], $0x1080  }
0x8d: {  	s9 =	simm.s32 @p0 $0x0;
	[sflag:s3] =	ssyncset.done $0x0  }
0x8e: {  	s12 =	simm.s32 @p0 $0xF180;
	s13 =	rddreg [dreg:$0xb];
	[sflag:s3] =	ssyncadd.s32 $0xFFFFEF80  }
0x8f: {  	[tilespmem:s12], [sflag:$0x2] =	stream.linear.gather @p0 [hbm4b:s13+s9], $0x10, $0x38;
	[tilespmem:$0x11300] =	vst v63  }
0x90: {  	s9 =	simm.s32 @p0 $0x2  }
0x91: {  	_ =	swait.ge @p0 [sflag:s9], $0x10  }
0x92: {  	[sflag:s9] =	ssyncset.done @p0 $0x0  }
0x93: {  	v3 =	vimm.s32 @p1 $0x7FFFFFFF;
	[sflag:s9] =	ssyncadd.s32 @p0 $0xFFFFFFF0  }
0x94: {  	s9 =	simm.s32 $0x0;
	[tilespmem:$0xF180] =	vst @p1 v3  }
0x95: {  	v3 =	vld [tilespmem:s9+$0xD080]  }
0x96: {  	v4 =	vld [tilespmem:s9+$0xC000];
	_ =	sdelay $0x4  }
0x97: {  	v5 =	vld [tilespmem:s9+$0xE100]  }
0x98: {  	v6 =	vld [tilespmem:s9+$0xE101]  }
0x99: {  	v7 =	vld.idx.msk [tilespmem:v3+s8+$0x0], $0xffff  }
0x9a: {  	v8 =	vld.idx.msk [tilespmem:v4+s6+$0x0], $0xffff  }
0x9b: {  	v3 =	vld.idx.msk [tilespmem:v3+s7+$0x0], $0xffff  }
0x9c: {  	v4 =	vld.idx.msk [tilespmem:v4+s2+$0x0], $0xffff  }
0x9d: {  	s12 =	simm.s32 $0x10  }
0x9e: {  	v10 =	vld [tilespmem:s12+$0xE100];
	v9 =	vshrl.u32 v5, $0xC  }
0x9f: {  	v11 =	vand.u32 $0xFFF, v5;
	vm0 =	vge.u32 v9, v0;
	vm1 =	vlt.u32 v9, v1  }
0xa0: {  	vm8 =	vne.s32 v5, v6;
	vm0 =	vmand vm0, vm1;
	v6 =	vadd.f32 v7, v8  }
0xa1: {  	vm0 =	vmand vm8, vm0;
	v7 =	vor.u32 $0x1000000, v11;
	v3 =	vadd.f32 v3, v4  }
0xa2: {  	v4 =	vsel vm0, v5, v7;
	v5 =	vmul.f32 $2.000000030e-01, v6  }
0xa3: {  	v7 =	vshrl.u32 v10, $0xC;
	vm9 =	vgt.f32 v6, $0.0e+00;
	v8 =	vmul.f32 $2.000000030e-01, v3  }
0xa4: {  	vm10 =	vge.u32 v7, v0;
	vm11 =	vgt.f32 v3, $0.0e+00;
	v5 =	vsel vm9, v6, v5  }
0xa5: {  	vm2 =	vlt.u32 v7, v1;
	v3 =	vsel vm11, v3, v8;
	v6 =	vshrl.u32 v5, $0xD  }
0xa6: {  	v7 =	vshrl.u32 v3, $0x17;
	v8 =	vshrl.u32 v3, $0xD;
	v9 =	vshrl.u32 v3, $0xC  }
0xa7: {  	v12 =	vand.u32 $0xFF, v7;
	v7 =	vand.u32 $0x3FF, v8;
	v8 =	vand.u32 $0x1, v9  }
0xa8: {  	v11 =	vld [tilespmem:s12+$0xE101];
	v9 =	vshrl.u32 v5, $0xC;
	v7 =	vadd.s32 v7, v8;
	v8 =	vshll.u32 v12, $0xA  }
0xa9: {  	v9 =	vand.u32 $0x1, v9;
	v7 =	vadd.s32 v7, v8;
	v8 =	vand.u32 $0x3FF, v6  }
0xaa: {  	v6 =	vand.u32 $0xFC00, v6;
	v8 =	vadd.s32 v8, v9  }
0xab: {  	[tilespmem:s9+$0xF200] =	vst v4;
	v3 =	vshrl.u32 v3, $0x10;
	v6 =	vadd.s32 v8, v6  }
0xac: {  	v3 =	vand.u32 $0x8000, v3;
	v7 =	vadd.s32 $0xFFFE4000, v7;
	v4 =	vshll.u32 v6, $0x10;
	v6 =	vld [tilespmem:s12+$0xD080]  }
0xad: {  	vm12 =	vmand vm10, vm2;
	vm13 =	vne.s32 v10, v11;
	v3 =	vor.u32 v3, v7;
	v7 =	vld [tilespmem:s12+$0xC000]  }
0xae: {  	vm0 =	vmand vm13, vm12;
	vm14 =	vgt.u32 v12, $0x70  }
0xaf: {  	v9 =	vand.u32 $0x7F800000, v5;
	v5 =	vand.u32 $0x80000000, v5;
	v4 =	vadd.s32 $0x40000000, v4  }
0xb0: {  	s13 =	simm.s32 $0x20;
	v8 =	vand.u32 $0xFFF, v10;
	vm15 =	vgt.u32 v9, $0x38000000;
	v4 =	vor.u32 v5, v4  }
0xb1: {  	v9 =	vnsel vm14, $0x0, v3;
	v3 =	vld [tilespmem:s13+$0xE100];
	v5 =	vor.u32 $0x1000000, v8;
	v8 =	vnsel vm15, $0x0, v4  }
0xb2: {  	s14 =	simm.s32 $0xC0;
	v4 =	vsel vm0, v10, v5;
	v5 =	vld [tilespmem:s13+$0xE101];
	v8 =	vor.u32 v9, v8  }
.LBB2_4:
0xb3: {  	p2 =	sne.s32 s14, $0x41C0;
	[tilespmem:s9+$0x10280] =	vst v8;
	s15 =	smov.u32 s14;
	s14 =	sadd.s32 $0x40, s14  }
0xb4: {  	s9 =	smov.u32 s12;
	s12 =	smov.u32 s13;
	v8 =	vld.idx.msk [tilespmem:v6+s8+$0x0], $0xffff  }
0xb5: {  	v9 =	vld.idx.msk [tilespmem:v7+s6+$0x0], $0xffff  }
0xb6: {  	v6 =	vld.idx.msk [tilespmem:v6+s7+$0x0], $0xffff  }
0xb7: {  	v10 =	vand.u32 $0xFFF, v3;
	v7 =	vld.idx.msk [tilespmem:v7+s2+$0x0], $0xffff  }
0xb8: {  	v11 =	vshrl.u32 v3, $0xC;
	[tilespmem:s9+$0xF200] =	vst v4  }
0xb9: {  	vm0 =	vge.u32 v11, v0;
	vm1 =	vlt.u32 v11, v1  }
0xba: {  	vm0 =	vmand vm0, vm1;
	vm1 =	vne.s32 v3, v5  }
0xbb: {  	vm0 =	vmand vm1, vm0;
	v4 =	vor.u32 $0x1000000, v10;
	v5 =	vadd.f32 v8, v9  }
0xbc: {  	v4 =	vsel vm0, v3, v4  }
0xbd: {  	v3 =	vadd.f32 v6, v7;
	v6 =	vmul.f32 $2.000000030e-01, v5  }
0xbe: {  	vm0 =	vgt.f32 v5, $0.0e+00  }
0xbf: {  	v7 =	vmul.f32 $2.000000030e-01, v3;
	v5 =	vsel vm0, v5, v6  }
0xc0: {  	vm0 =	vgt.f32 v3, $0.0e+00;
	v6 =	vshrl.u32 v5, $0xD;
	v8 =	vshrl.u32 v5, $0xC  }
0xc1: {  	v3 =	vsel vm0, v3, v7;
	v7 =	vand.u32 $0x3FF, v6;
	v8 =	vand.u32 $0x1, v8  }
0xc2: {  	v9 =	vshrl.u32 v3, $0x17;
	v10 =	vshrl.u32 v3, $0xD;
	v11 =	vshrl.u32 v3, $0xC  }
0xc3: {  	v9 =	vand.u32 $0xFF, v9;
	v10 =	vand.u32 $0x3FF, v10;
	v11 =	vand.u32 $0x1, v11  }
0xc4: {  	v12 =	vshll.u32 v9, $0xA;
	v10 =	vadd.s32 v10, v11;
	v11 =	vand.u32 $0xFC00, v6  }
0xc5: {  	v3 =	vshrl.u32 v3, $0x10;
	v8 =	vadd.s32 v7, v8;
	v10 =	vadd.s32 v10, v12;
	v6 =	vld [tilespmem:s12+$0xD080]  }
0xc6: {  	v3 =	vand.u32 $0x8000, v3;
	v8 =	vadd.s32 v8, v11;
	v10 =	vadd.s32 $0xFFFE4000, v10;
	v7 =	vld [tilespmem:s12+$0xC000]  }
.Ltmp1:
0xc7: {  	v10 =	vor.u32 v3, v10;
	v3 =	vshll.u32 v8, $0x10;
	v8 =	vand.u32 $0x7F800000, v5;
	(pc) =	sbr.rel @p2 .LBB2_4-.Ltmp1, $4  }
0xc8: {  	s13 =	sshra.s32 s15, $0x2;
	v5 =	vand.u32 $0x80000000, v5;
	v11 =	vadd.s32 $0x40000000, v3  }
0xc9: {  	vm0 =	vgt.u32 v9, $0x70;
	vm1 =	vgt.u32 v8, $0x38000000;
	v5 =	vor.u32 v5, v11;
	v3 =	vld [tilespmem:s13+$0xE100]  }
0xca: {  	v8 =	vnsel vm0, $0x0, v10;
	v9 =	vnsel vm1, $0x0, v5  }
0xcb: {  	v8 =	vor.u32 v8, v9;
	v5 =	vld [tilespmem:s13+$0xE101]  }
0xcc: {  	_ =	sdelay $0x2  }
0xcd: {  	[tilespmem:s9+$0x10280] =	vst v8  }
0xce: {  	v8 =	vld.idx.msk [tilespmem:v6+s8+$0x0], $0xffff  }
0xcf: {  	v9 =	vld.idx.msk [tilespmem:v7+s6+$0x0], $0xffff  }
0xd0: {  	v38 =	vld.idx.msk [tilespmem:v6+s7+$0x0], $0xffff  }
0xd1: {  	v39 =	vld.idx.msk [tilespmem:v7+s2+$0x0], $0xffff;
	_ =	sdelay $0x4  }
0xd2: {  	v8 =	vadd.f32 v8, v9;
	v6 =	vadd.f32 v38, v39;
	_ =	sdelay $0x1  }
0xd3: {  	v40 =	vmul.f32 $2.000000030e-01, v8;
	v41 =	vmul.f32 $2.000000030e-01, v6  }
0xd4: {  	vm0 =	vgt.f32 v8, $0.0e+00;
	vm8 =	vgt.f32 v6, $0.0e+00  }
0xd5: {  	v7 =	vsel vm0, v8, v40;
	v6 =	vsel vm8, v6, v41  }
0xd6: {  	v8 =	vshrl.u32 v7, $0xD;
	v10 =	vshrl.u32 v7, $0xC;
	v11 =	vshrl.u32 v6, $0x17  }
0xd7: {  	v12 =	vshrl.u32 v6, $0xD;
	v13 =	vshrl.u32 v6, $0xC;
	v6 =	vshrl.u32 v6, $0x10  }
0xd8: {  	v42 =	vand.u32 $0x3FF, v8;
	v10 =	vand.u32 $0x1, v10;
	v11 =	vand.u32 $0xFF, v11  }
0xd9: {  	[tilespmem:s12+$0xF200] =	vst v4;
	v12 =	vand.u32 $0x3FF, v12;
	v13 =	vand.u32 $0x1, v13;
	v8 =	vand.u32 $0xFC00, v8  }
0xda: {  	v45 =	vld [tilespmem:s13+$0xD080];
	v43 =	vadd.s32 v12, v13;
	v44 =	vshll.u32 v11, $0xA;
	v9 =	vadd.s32 v42, v10  }
0xdb: {  	v46 =	vld [tilespmem:s13+$0xC000];
	v48 =	vand.u32 $0x7F800000, v7;
	v4 =	vadd.s32 v43, v44;
	v8 =	vadd.s32 v9, v8  }
0xdc: {  	v6 =	vand.u32 $0x8000, v6;
	v4 =	vadd.s32 $0xFFFE4000, v4;
	v47 =	vshll.u32 v8, $0x10  }
0xdd: {  	v7 =	vand.u32 $0x80000000, v7;
	v4 =	vor.u32 v6, v4;
	v6 =	vadd.s32 $0x40000000, v47  }
0xde: {  	vm1 =	vgt.u32 v48, $0x38000000;
	vm9 =	vgt.u32 v11, $0x70;
	v6 =	vor.u32 v7, v6  }
0xdf: {  	v4 =	vnsel vm9, $0x0, v4;
	v6 =	vnsel vm1, $0x0, v6  }
0xe0: {  	v4 =	vor.u32 v4, v6  }
0xe1: {  	[tilespmem:s12+$0x10280] =	vst v4  }
0xe2: {  	v4 =	vld.idx.msk [tilespmem:v45+s8+$0x0], $0xffff  }
0xe3: {  	v49 =	vld.idx.msk [tilespmem:v46+s6+$0x0], $0xffff  }
0xe4: {  	v50 =	vld.idx.msk [tilespmem:v45+s7+$0x0], $0xffff  }
0xe5: {  	v51 =	vld.idx.msk [tilespmem:v46+s2+$0x0], $0xffff;
	_ =	sdelay $0x3  }
0xe6: {  	v52 =	vand.u32 $0xFFF, v3  }
0xe7: {  	v53 =	vshrl.u32 v3, $0xC;
	v4 =	vadd.f32 v4, v49;
	v7 =	vadd.f32 v50, v51  }
0xe8: {  	vm10 =	vge.u32 v53, v0;
	vm11 =	vlt.u32 v53, v1;
	vm2 =	vne.s32 v3, v5  }
0xe9: {  	vm0 =	vmand vm10, vm11;
	v54 =	vmul.f32 $2.000000030e-01, v4;
	v55 =	vmul.f32 $2.000000030e-01, v7  }
0xea: {  	vm0 =	vmand vm2, vm0;
	vm12 =	vgt.f32 v4, $0.0e+00;
	vm13 =	vgt.f32 v7, $0.0e+00  }
0xeb: {  	v6 =	vor.u32 $0x1000000, v52;
	v4 =	vsel vm12, v4, v54;
	v7 =	vsel vm13, v7, v55  }
0xec: {  	v56 =	vshrl.u32 v4, $0xD;
	v57 =	vshrl.u32 v7, $0x17;
	v9 =	vshrl.u32 v7, $0xD  }
0xed: {  	v58 =	vshrl.u32 v7, $0xC;
	v59 =	vshrl.u32 v4, $0xC;
	v7 =	vshrl.u32 v7, $0x10  }
0xee: {  	v62 =	vand.u32 $0x7F800000, v4;
	v8 =	vand.u32 $0xFF, v57;
	v9 =	vand.u32 $0x3FF, v9  }
0xef: {  	v10 =	vand.u32 $0x1, v58;
	v61 =	vand.u32 $0x3FF, v56;
	v11 =	vand.u32 $0x1, v59  }
0xf0: {  	v5 =	vand.u32 $0xFC00, v56;
	v9 =	vadd.s32 v9, v10;
	v10 =	vadd.s32 v61, v11  }
0xf1: {  	v4 =	vand.u32 $0x80000000, v4;
	v60 =	vshll.u32 v8, $0xA;
	v5 =	vadd.s32 v10, v5  }
0xf2: {  	v7 =	vand.u32 $0x8000, v7;
	v9 =	vadd.s32 v9, v60;
	v5 =	vshll.u32 v5, $0x10  }
0xf3: {  	vm15 =	vgt.u32 v62, $0x38000000;
	v9 =	vadd.s32 $0xFFFE4000, v9;
	v5 =	vadd.s32 $0x40000000, v5  }
0xf4: {  	vm14 =	vgt.u32 v8, $0x70;
	v7 =	vor.u32 v7, v9;
	v4 =	vor.u32 v4, v5  }
0xf5: {  	v3 =	vsel vm0, v3, v6;
	v63 =	vnsel vm14, $0x0, v7;
	v4 =	vnsel vm15, $0x0, v4  }
0xf6: {  	s15 =	simm.s32 $0xF200;
	[tilespmem:s13+$0xF200] =	vst v3;
	v3 =	vor.u32 v63, v4  }
0xf7: {  	s14 =	simm.s32 $0x10280;
	s12 =	rddreg [dreg:$0x5];
	[tilespmem:s13+$0x10280] =	vst v3;
	s13 =	simm.s32 $0x1080  }
0xf8: {  	[hbm4b:s12+s13] =	stream.indirect.scatter [tilespmem:s14], [sflag:$0x1], $0x1, s15, s13, $0xb8;
	[tilespmem:$0x11300] =	vst v63  }
0xf9: {  	_ =	swait.ge [sflag:s30], $0x1080  }
0xfa: {  	s10 =	sadd.s32 $0x1, s10;
	s15 =	rddreg [dreg:$0xc]  }
0xfb: {  	p2 =	sne.s32 s10, s15  }
.Ltmp2:
0xfc: {  	_ = 	snop;
	(pc) =	sbr.rel @p2 .LBB2_1-.Ltmp2, $3  }
0xfd: {  	_ =	sdelay $0x1  }
0xfe: {  	[sflag:s30] =	ssyncset.done $0x0  }
0xff: {  	[sflag:s30] =	ssyncadd.s32 $0xFFFFEF80  }
0x100: {  	_ =	sfence.sel $0x180000  }
0x101: {  	[bflag:$0x0] =	sbarrier.arrive $0xFFFF  }
0x102: {  	_ =	strace $0x90000047  }
0x103: {  	s0 =	stileid.u32;
	[bflag:$0x2] =	sbarrier.arrive $0xFFFF  }
0x104: {  	p0 =	sne.s32 s0, $0x0;
	s0 =	rddreg [dreg:$0x3]  }
0x105: {  	s0 =	sadd.s32 @!p0 $0x100000, s0  }
0x106: {  	[sflag:s0] =	ssyncadd.tile.s32 @!p0 $0x1;
	_ =	shalt  }
.Lfunc_end2:
_tile_overlayer_lowered:
.L_overlay_start_2:
0x107: {  	(tag) =	ssettag $0x2  }
0x108: {  	s0 =	rddreg [dreg:$0x0];
	s2 =	stileid.u32  }
0x109: {  	s1 =	rddreg [dreg:$0x1];
	p0 =	sne.s32 s2, $0x0  }
0x10a: {  	s3 =	rddreg [dreg:$0x2];
	[bflag:$0x3] =	sbarrier.arrive $0xFFFF;
	s2 =	simm.s32 @!p0 $0x1C02  }
0x10b: {  	[timem:s3], [sflag:s2] =	dma.local @!p0 [hbm:s0], s1  }
0x10c: {  	s0 =	simm.s32 @!p0 $0x2  }
0x10d: {  	_ =	swait.ge @!p0 [sflag:s0], s1  }
0x10e: {  	s1 =	ssub.s32 @!p0 $0x0, s1;
	[sflag:s0] =	ssyncset.done @!p0 $0x0  }
0x10f: {  	[sflag:s0] =	ssyncadd.s32 @!p0 s1  }
0x110: {  	[bflag:$0x3] =	sbarrier.arrive $0xFFFF  }
0x111: {  	_ =	shalt  }

</sc_bundles>
